<compile_context>
chip_gen: v7x
topology: tpu7x:2x2x1
jax: 0.10.2.dev20260603
libtpu: 0.0.44.dev20260713+nightly
codegen_flags: <defaults>
</compile_context>

<pallas_src>
import functools

import jax
import jax.numpy as jnp
from jax import lax
from jax.experimental import pallas as pl
from jax.experimental.pallas import tpu as pltpu
from jax.experimental.pallas import tpu_sc as plsc

B, N, M, C_IN, DIM, K = 2, 2048, 512, 256, 256, 16
POS_H, ATTN_H = 64, 512
TN = 128
NT = N // TN
TNK = TN * K
CNT = float(B * N * K)
EPS = 1e-5
F32 = jnp.float32

NWORK = 32
RPW = B * N * K // NWORK
CH = 64
TW = 640


def _mmT(a, b):
    return jax.lax.dot_general(a, b, (((1,), (1,)), ((), ())),
                               preferred_element_type=F32)


def _mm(a, b):
    return jax.lax.dot_general(a, b, (((1,), (0,)), ((), ())),
                               preferred_element_type=F32)


def _proj_body(sft_ref, feat_ref, seed_ref, Wls_ref, bls_ref, Wk_ref, bk_ref,
               Wv_ref, bv_ref, Wq_ref, bq_ref,
               tab_ref, query_ref):
    v0 = _mmT(sft_ref[0], Wls_ref[...]) + bls_ref[...]
    keyf = _mmT(v0, Wk_ref[...]) + bk_ref[...]
    val = _mmT(v0, Wv_ref[...]) + bv_ref[...]
    tab_ref[0] = jnp.concatenate(
        [keyf, val, seed_ref[0], jnp.zeros((M, TW - 2 * DIM - 3), F32)],
        axis=1)
    query_ref[0] = _mmT(feat_ref[0], Wq_ref[...]) + bq_ref[...]


def _topk_body(posf_ref, seed_ref, idx_ref):
    q = posf_ref[0]
    s = seed_ref[0]
    qn = jnp.sum(q * q, axis=1, keepdims=True)
    sn = jnp.sum(s * s, axis=1)
    d = jax.lax.dot_general(q, s, (((1,), (1,)), ((), ())),
                            preferred_element_type=F32)
    d = -2.0 * d
    d = d + qn
    d = d + sn[None, :]
    colid = jax.lax.broadcasted_iota(jnp.int32, (TN, M), 1)
    cols = []
    for _ in range(K):
        mn = jnp.min(d, axis=1, keepdims=True)
        am = jnp.min(jnp.where(d == mn, colid, M), axis=1)
        cols.append(am[:, None])
        d = jnp.where(colid == am[:, None], jnp.inf, d)
    idx_t = jnp.concatenate(cols, axis=1)
    idx_ref[0] = idx_t + pl.program_id(0) * M


def _gather_body(tab_hbm, idx_hbm, gtab_hbm, idx_v, rows_v, sem):
    wid = lax.axis_index("s") * 2 + lax.axis_index("c")
    base = wid * RPW
    pltpu.sync_copy(idx_hbm.at[pl.ds(base, RPW)], idx_v)

    def body(i, carry):
        off = i * CH
        ii = idx_v.at[pl.ds(off, CH)]
        pltpu.async_copy(tab_hbm.at[ii], rows_v, sem).wait()
        pltpu.sync_copy(rows_v, gtab_hbm.at[pl.ds(base + off, CH)])
        return carry

    lax.fori_loop(0, RPW // CH, body, 0)


def _stats1_body(gcrd_ref, posf_ref, Wp1_ref, bp1_ref, statsp_ref):
    cg = gcrd_ref[0][:, 0:3]
    q = posf_ref[0]
    qrep = jnp.broadcast_to(q[:, None, :], (TN, K, 3)).reshape(TNK, 3)
    pos_rel = qrep - cg
    dis = jnp.sqrt(jnp.sum(pos_rel * pos_rel, axis=1, keepdims=True))
    h = jnp.concatenate([dis, pos_rel], axis=1)
    tp = _mmT(h, Wp1_ref[...]) + bp1_ref[...]

    statsp_ref[0, 0, :] = jnp.sum(tp, axis=0)
    statsp_ref[0, 1, :] = jnp.sum(tp * tp, axis=0)


def _pass2_body(gtab_ref, posf_ref, query_ref,
                statsp_ref, Wp1_ref, bp1_ref, gp1_ref, betap1_ref,
                Wp2_ref, bp2_ref, Wa1_ref, ba1_ref,
                ta_ref, vpe_ref, statsa_ref):
    cg = gtab_ref[0][:, 2 * DIM:2 * DIM + 3]
    q = posf_ref[0]
    qrep = jnp.broadcast_to(q[:, None, :], (TN, K, 3)).reshape(TNK, 3)
    pos_rel = qrep - cg
    dis = jnp.sqrt(jnp.sum(pos_rel * pos_rel, axis=1, keepdims=True))
    h = jnp.concatenate([dis, pos_rel], axis=1)
    tp = _mmT(h, Wp1_ref[...]) + bp1_ref[...]

    sp = statsp_ref[...]
    mp = (jnp.sum(sp[:, 0, :], axis=0) / CNT)[None, :]
    vp = (jnp.sum(sp[:, 1, :], axis=0) / CNT)[None, :] - mp * mp
    xn = (tp - mp) / jnp.sqrt(vp + EPS) * gp1_ref[...] + betap1_ref[...]
    pe = _mmT(jnp.maximum(xn, 0.0), Wp2_ref[...]) + bp2_ref[...]

    key_g = gtab_ref[0][:, 0:DIM]
    val_g = gtab_ref[0][:, DIM:2 * DIM]
    qf = query_ref[0]
    qfrep = jnp.broadcast_to(qf[:, None, :], (TN, K, DIM)).reshape(TNK, DIM)
    x = qfrep - key_g + pe
    ta = _mmT(x, Wa1_ref[...]) + ba1_ref[...]
    ta_ref[0] = ta
    vpe_ref[0] = val_g + pe

    statsa_ref[0, 0, :] = jnp.sum(ta, axis=0)
    statsa_ref[0, 1, :] = jnp.sum(ta * ta, axis=0)


def _pass3_body(ta_ref, vpe_ref, feat_ref, statsa_ref,
                ga1_ref, betaa1_ref, Wa2_ref, ba2_ref, Wle_ref, ble_ref,
                out_ref):
    ta = ta_ref[0]
    sa = statsa_ref[...]
    ma = (jnp.sum(sa[:, 0, :], axis=0) / CNT)[None, :]
    va = (jnp.sum(sa[:, 1, :], axis=0) / CNT)[None, :] - ma * ma
    u = (ta - ma) / jnp.sqrt(va + EPS) * ga1_ref[...] + betaa1_ref[...]
    u = jnp.maximum(u, 0.0)
    w = _mmT(u, Wa2_ref[...]) + ba2_ref[...]
    w3 = w.reshape(TN, K, DIM)
    wmax = jnp.max(w3, axis=1, keepdims=True)
    e = jnp.exp(w3 - wmax)
    sm = e / jnp.sum(e, axis=1, keepdims=True)
    agg = jnp.sum(sm * vpe_ref[0].reshape(TN, K, DIM), axis=1)
    out_ref[0] = _mmT(agg, Wle_ref[...]) + ble_ref[...] + feat_ref[0]


def kernel(pos, pos_flipped, fea, seed, seed_fea, Wq, bq, Wk, bk, Wv, bv,
           Wp1, bp1, gp1, betap1, Wp2, bp2, Wa1, ba1, ga1, betaa1, Wa2, ba2,
           Wls, bls, Wle, ble):
    del pos
    feat = jnp.transpose(fea, (0, 2, 1))
    sft = jnp.transpose(seed_fea, (0, 2, 1))
    b2 = lambda v: v.reshape(1, -1)

    tab, query = pl.pallas_call(
        _proj_body,
        grid=(B,),
        in_specs=[
            pl.BlockSpec((1, M, C_IN), lambda b: (b, 0, 0)),
            pl.BlockSpec((1, N, C_IN), lambda b: (b, 0, 0)),
            pl.BlockSpec((1, M, 3), lambda b: (b, 0, 0)),
        ] + [pl.BlockSpec(w.shape, lambda b: tuple(0 for _ in w.shape))
             for w in (Wls, b2(bls), Wk, b2(bk), Wv, b2(bv), Wq, b2(bq))],
        out_specs=[
            pl.BlockSpec((1, M, TW), lambda b: (b, 0, 0)),
            pl.BlockSpec((1, N, DIM), lambda b: (b, 0, 0)),
        ],
        out_shape=[
            jax.ShapeDtypeStruct((B, M, TW), F32),
            jax.ShapeDtypeStruct((B, N, DIM), F32),
        ],
    )(sft, feat, seed, Wls, b2(bls), Wk, b2(bk), Wv, b2(bv), Wq, b2(bq))

    idx = pl.pallas_call(
        _topk_body,
        grid=(B, NT),
        in_specs=[
            pl.BlockSpec((1, TN, 3), lambda b, t: (b, t, 0)),
            pl.BlockSpec((1, M, 3), lambda b, t: (b, 0, 0)),
        ],
        out_specs=pl.BlockSpec((1, TN, K), lambda b, t: (b, t, 0)),
        out_shape=jax.ShapeDtypeStruct((B, N, K), jnp.int32),
    )(pos_flipped, seed)

    gather = functools.partial(
        pl.kernel,
        mesh=plsc.VectorSubcoreMesh(core_axis_name="c", subcore_axis_name="s"),
        out_type=jax.ShapeDtypeStruct((B * N * K, TW), F32),
        scratch_types=[
            pltpu.VMEM((RPW,), jnp.int32),
            pltpu.VMEM((CH, TW), F32),
            pltpu.SemaphoreType.DMA,
        ],
    )(_gather_body)
    gtab = gather(tab.reshape(B * M, TW), idx.reshape(B * N * K))
    gtab = gtab.reshape(B, N * K, TW)

    statsp = pl.pallas_call(
        _stats1_body,
        grid=(B, NT),
        in_specs=[
            pl.BlockSpec((1, TNK, 128), lambda b, t: (b, t, 4)),
            pl.BlockSpec((1, TN, 3), lambda b, t: (b, t, 0)),
            pl.BlockSpec(Wp1.shape, lambda b, t: (0, 0)),
            pl.BlockSpec((1, POS_H), lambda b, t: (0, 0)),
        ],
        out_specs=pl.BlockSpec((1, 2, POS_H), lambda b, t: (b * NT + t, 0, 0)),
        out_shape=jax.ShapeDtypeStruct((B * NT, 2, POS_H), F32),
    )(gtab, pos_flipped, Wp1, b2(bp1))

    ta, vpe, statsa = pl.pallas_call(
        _pass2_body,
        grid=(B, NT),
        in_specs=[
            pl.BlockSpec((1, TNK, TW), lambda b, t: (b, t, 0)),
            pl.BlockSpec((1, TN, 3), lambda b, t: (b, t, 0)),
            pl.BlockSpec((1, TN, DIM), lambda b, t: (b, t, 0)),
            pl.BlockSpec((B * NT, 2, POS_H), lambda b, t: (0, 0, 0)),
        ] + [pl.BlockSpec(w.shape, lambda b, t: tuple(0 for _ in w.shape))
             for w in (Wp1, b2(bp1), b2(gp1), b2(betap1), Wp2, b2(bp2),
                       Wa1, b2(ba1))],
        out_specs=[
            pl.BlockSpec((1, TNK, ATTN_H), lambda b, t: (b, t, 0)),
            pl.BlockSpec((1, TNK, DIM), lambda b, t: (b, t, 0)),
            pl.BlockSpec((1, 2, ATTN_H), lambda b, t: (b * NT + t, 0, 0)),
        ],
        out_shape=[
            jax.ShapeDtypeStruct((B, N * K, ATTN_H), F32),
            jax.ShapeDtypeStruct((B, N * K, DIM), F32),
            jax.ShapeDtypeStruct((B * NT, 2, ATTN_H), F32),
        ],
    )(gtab, pos_flipped, query, statsp,
      Wp1, b2(bp1), b2(gp1), b2(betap1), Wp2, b2(bp2), Wa1, b2(ba1))

    out = pl.pallas_call(
        _pass3_body,
        grid=(B, NT),
        in_specs=[
            pl.BlockSpec((1, TNK, ATTN_H), lambda b, t: (b, t, 0)),
            pl.BlockSpec((1, TNK, DIM), lambda b, t: (b, t, 0)),
            pl.BlockSpec((1, TN, C_IN), lambda b, t: (b, t, 0)),
            pl.BlockSpec((B * NT, 2, ATTN_H), lambda b, t: (0, 0, 0)),
        ] + [pl.BlockSpec(w.shape, lambda b, t: tuple(0 for _ in w.shape))
             for w in (b2(ga1), b2(betaa1), Wa2, b2(ba2), Wle, b2(ble))],
        out_specs=pl.BlockSpec((1, TN, C_IN), lambda b, t: (b, t, 0)),
        out_shape=jax.ShapeDtypeStruct((B, N, C_IN), F32),
    )(ta, vpe, feat, statsa, b2(ga1), b2(betaa1), Wa2, b2(ba2), Wle, b2(ble))

    return jnp.transpose(out, (0, 2, 1))

# --- scband reference (transcript-rebuilt; emitter-appended) ---
"""Pipeline reference for scband-fea-prop-62096637166372 (READ-ONLY COPY).

The authoritative reference and input builder live on the scoring server;
editing this copy changes nothing except your own understanding.
"""

import jax, jax.numpy as jnp
import numpy as np

B, N, M, C_IN, DIM, K = 2, 2048, 512, 256, 256, 16
POS_H, ATTN_H = 64, 512


def conv1d(x, W, b):
    return jnp.einsum('oc,bcn->bon', W, x) + b[None, :, None]


def conv2d(x, W, b):
    return jnp.einsum('oc,bcnk->bonk', W, x) + b[None, :, None, None]


def bn2d(x, g, bt, eps=1e-5):
    m = jnp.mean(x, axis=(0, 2, 3), keepdims=True)
    v = jnp.var(x, axis=(0, 2, 3), keepdims=True)
    return (x - m) / jnp.sqrt(v + eps) * g[None, :, None, None] + bt[None, :, None, None]


def group(feats, idx):
    # feats: (B, C, M), idx: (B, N, K) -> (B, C, N, K)
    return jax.vmap(lambda f, i: f[:, i])(feats, idx)


def setup_inputs(seed: int = 0):
    key = jax.random.key(seed)
    ks = jax.random.split(key, 16)
    pos = jax.random.normal(ks[0], (B, 3, N), dtype=jnp.float32)
    pos_flipped = jnp.transpose(pos, (0, 2, 1))
    seed = jax.random.normal(ks[1], (B, M, 3), dtype=jnp.float32)
    fea = jax.random.normal(ks[2], (B, C_IN, N), dtype=jnp.float32)
    seed_fea = jax.random.normal(ks[3], (B, C_IN, M), dtype=jnp.float32)

    def w(k, shape, fan_in):
        return jax.random.normal(k, shape, dtype=jnp.float32) / np.sqrt(fan_in)

    return dict(
        pos=pos, pos_flipped=pos_flipped, fea=fea, seed=seed, seed_fea=seed_fea,
        Wq=w(ks[4], (DIM, C_IN), C_IN), bq=jnp.zeros(DIM, jnp.float32),
        Wk=w(ks[5], (DIM, DIM), DIM), bk=jnp.zeros(DIM, jnp.float32),
        Wv=w(ks[6], (DIM, DIM), DIM), bv=jnp.zeros(DIM, jnp.float32),
        Wp1=w(ks[7], (POS_H, 4), 4), bp1=jnp.zeros(POS_H, jnp.float32),
        gp1=jnp.ones(POS_H, jnp.float32), betap1=jnp.zeros(POS_H, jnp.float32),
        Wp2=w(ks[8], (DIM, POS_H), POS_H), bp2=jnp.zeros(DIM, jnp.float32),
        Wa1=w(ks[9], (ATTN_H, DIM), DIM), ba1=jnp.zeros(ATTN_H, jnp.float32),
        ga1=jnp.ones(ATTN_H, jnp.float32), betaa1=jnp.zeros(ATTN_H, jnp.float32),
        Wa2=w(ks[10], (DIM, ATTN_H), ATTN_H), ba2=jnp.zeros(DIM, jnp.float32),
        Wls=w(ks[11], (DIM, C_IN), C_IN), bls=jnp.zeros(DIM, jnp.float32),
        Wle=w(ks[12], (C_IN, DIM), DIM), ble=jnp.zeros(C_IN, jnp.float32),
    )


def _forward(pos, pos_flipped, fea, seed, seed_fea, p):
    identity = fea
    value0 = conv1d(seed_fea, p['Wls'], p['bls'])
    # kNN of each query point (pos_flipped) among seeds (no grad through indices)
    sqr = -2.0 * jnp.einsum('bnc,bmc->bnm', pos_flipped, seed)
    sqr = sqr + jnp.sum(pos_flipped ** 2, -1)[:, :, None] + jnp.sum(seed ** 2, -1)[:, None, :]
    _, idx = jax.lax.top_k(-sqr, K)  # (B, N, K) smallest distances
    keyf = conv1d(value0, p['Wk'], p['bk'])
    val = conv1d(value0, p['Wv'], p['bv'])
    query = conv1d(fea, p['Wq'], p['bq'])
    key_g = group(keyf, idx)  # (B, DIM, N, K)
    qk_rel = query[:, :, :, None] - key_g
    val_g = group(val, idx)
    coord_xi = jnp.broadcast_to(pos[:, :, :, None], (B, 3, N, K))
    coord_xj = group(jnp.transpose(seed, (0, 2, 1)), idx)  # (B, 3, N, K)
    pos_rel = coord_xi - coord_xj
    dis = jnp.sqrt(jnp.sum(pos_rel ** 2, axis=1, keepdims=True))
    h = jnp.concatenate([dis, pos_rel], axis=1)  # (B, 4, N, K)
    pe = conv2d(jax.nn.relu(bn2d(conv2d(h, p['Wp1'], p['bp1']), p['gp1'], p['betap1'])), p['Wp2'], p['bp2'])
    w_ = conv2d(jax.nn.relu(bn2d(conv2d(qk_rel + pe, p['Wa1'], p['ba1']), p['ga1'], p['betaa1'])), p['Wa2'], p['ba2'])
    w_ = jax.nn.softmax(w_, axis=-1)
    agg = jnp.einsum('bcik,bcik->bci', w_, val_g + pe)
    y = conv1d(agg, p['Wle'], p['ble'])
    return y + identity


def reference(pos, pos_flipped, fea, seed, seed_fea,
              Wq, bq, Wk, bk, Wv, bv,
              Wp1, bp1, gp1, betap1, Wp2, bp2,
              Wa1, ba1, ga1, betaa1, Wa2, ba2,
              Wls, bls, Wle, ble):
    params = dict(
        Wq=Wq, bq=bq, Wk=Wk, bk=bk, Wv=Wv, bv=bv,
        Wp1=Wp1, bp1=bp1, gp1=gp1, betap1=betap1, Wp2=Wp2, bp2=bp2,
        Wa1=Wa1, ba1=ba1, ga1=ga1, betaa1=betaa1, Wa2=Wa2, ba2=ba2,
        Wls=Wls, bls=bls, Wle=Wle, ble=ble,
    )
    return _forward(pos, pos_flipped, fea, seed, seed_fea, params)

if __name__ == "__main__":
    import jax
    _d = setup_inputs()
    print(jax.jit(kernel)(*tuple(_d.values())))

</pallas_src>

<mosaic_0001>
#map = affine_map<(d0, d1) -> (0, 0)>
#map1 = affine_map<(d0, d1) -> (0)>
module attributes {stable_mosaic.version = 14 : i64} {
  func.func @_gather_body(%arg0: i32, %arg1: i32, %arg2: memref<1024x640xf32, #tpu.memory_space<hbm>>, %arg3: memref<65536xi32, #tpu.memory_space<hbm>>, %arg4: memref<65536x640xf32, #tpu.memory_space<hbm>>, %arg5: memref<2048xi32, #tpu.memory_space<vmem>>, %arg6: memref<64x640xf32, #tpu.memory_space<vmem>>, %arg7: memref<!tpu.dma_semaphore, #tpu.memory_space<semaphore_mem>>) attributes {dimension_semantics = [#tpu.dimension_semantics<core_parallel>, #tpu.dimension_semantics<subcore_parallel>], iteration_bounds = array<i64: 2, 16>, scalar_prefetch = 0 : i64, scratch_operands = 3 : i64, tpu.core_type = #tpu.core_type<sc_vector_subcore>, window_params = [{transform_indices = #map}, {transform_indices = #map1}, {transform_indices = #map}]} {
    %mul3A = arith.constant 2 : i32
    %mul3A_0 = arith.muli %arg1, %mul3A : i32
    %add3A = arith.addi %mul3A_0, %arg0 : i32
    %mul3A_1 = arith.constant 2048 : i32
    %mul3A_2 = arith.muli %add3A, %mul3A_1 : i32
    "tpu.region"() ({
      %run_scoped3A = tpu.sem_alloc : memref<!tpu.dma_semaphore, #tpu.memory_space<semaphore_mem>>
      %dma_start3A = tpu.memref_slice %arg3[%mul3A_2] : memref<65536xi32, #tpu.memory_space<hbm>> -> memref<2048xi32, #tpu.memory_space<hbm>>
      %dma_start3A_8 = tpu.memref_slice %arg3[%mul3A_2] : memref<65536xi32, #tpu.memory_space<hbm>> -> memref<2048xi32, #tpu.memory_space<hbm>>
      tpu.enqueue_dma source(%dma_start3A_8 : memref<2048xi32, #tpu.memory_space<hbm>>) target(%arg5 : memref<2048xi32, #tpu.memory_space<vmem>>) target_semaphore(%run_scoped3A : memref<!tpu.dma_semaphore, #tpu.memory_space<semaphore_mem>>)
      %dma_wait3A = tpu.memref_slice %arg3[%mul3A_2] : memref<65536xi32, #tpu.memory_space<hbm>> -> memref<2048xi32, #tpu.memory_space<hbm>>
      %dma_wait3A_9 = tpu.memref_slice %arg3[%mul3A_2] : memref<65536xi32, #tpu.memory_space<hbm>> -> memref<2048xi32, #tpu.memory_space<hbm>>
      tpu.wait_dma2 semaphore(%run_scoped3A : memref<!tpu.dma_semaphore, #tpu.memory_space<semaphore_mem>>) src(%dma_wait3A_9 : memref<2048xi32, #tpu.memory_space<hbm>>) dst(%arg5 : memref<2048xi32, #tpu.memory_space<vmem>>)
      tpu.yield
    }) : () -> ()
    %scan3A = arith.constant 0 : i32
    %scan3A_3 = arith.constant 0 : i32
    %scan3A_4 = arith.constant 32 : i32
    %scan3A_5 = arith.addi %scan3A_3, %scan3A_4 : i32
    %scan3A_6 = arith.constant 1 : i32
    scf.for %scan3A_8 = %scan3A_3 to %scan3A_5 step %scan3A_6  : i32 {
      %mul3A_9 = arith.constant 64 : i32
      %mul3A_10 = arith.muli %scan3A_8, %mul3A_9 : i32
      %dma_start3A = tpu.memref_slice %arg5[%mul3A_10] : memref<2048xi32, #tpu.memory_space<vmem>> -> memref<64xi32, #tpu.memory_space<vmem>>
      %dma_start3A_11 = arith.constant 0 : i32
      %dma_start3A_12 = arith.constant 0 : i32
      %dma_start3A_13 = tpu.memref_slice %arg2[%dma_start3A_11, %dma_start3A_12] : memref<1024x640xf32, #tpu.memory_space<hbm>> -> memref<1024x640xf32, #tpu.memory_space<hbm>>
      tpu.enqueue_indirect_dma source(%dma_start3A_13 : memref<1024x640xf32, #tpu.memory_space<hbm>>) target(%arg6 : memref<64x640xf32, #tpu.memory_space<vmem>>) offsets(%dma_start3A : memref<64xi32, #tpu.memory_space<vmem>>) semaphore(%arg7 : memref<!tpu.dma_semaphore, #tpu.memory_space<semaphore_mem>>)
      %dma_wait3A = tpu.memref_slice %arg5[%mul3A_10] : memref<2048xi32, #tpu.memory_space<vmem>> -> memref<64xi32, #tpu.memory_space<vmem>>
      %dma_wait3A_14 = arith.constant 0 : i32
      %dma_wait3A_15 = arith.constant 0 : i32
      %dma_wait3A_16 = tpu.memref_slice %arg2[%dma_wait3A_14, %dma_wait3A_15] : memref<1024x640xf32, #tpu.memory_space<hbm>> -> memref<1024x640xf32, #tpu.memory_space<hbm>>
      tpu.wait_indirect_dma semaphore(%arg7 : memref<!tpu.dma_semaphore, #tpu.memory_space<semaphore_mem>>) src(%dma_wait3A_16 : memref<1024x640xf32, #tpu.memory_space<hbm>>) dst(%arg6 : memref<64x640xf32, #tpu.memory_space<vmem>>)
      %add3A_17 = arith.addi %mul3A_2, %mul3A_10 : i32
      "tpu.region"() ({
        %run_scoped3A = tpu.sem_alloc : memref<!tpu.dma_semaphore, #tpu.memory_space<semaphore_mem>>
        %dma_start3A_18 = arith.constant 0 : i32
        %dma_start3A_19 = tpu.memref_slice %arg4[%add3A_17, %dma_start3A_18] : memref<65536x640xf32, #tpu.memory_space<hbm>> -> memref<64x640xf32, #tpu.memory_space<hbm>>
        %dma_start3A_20 = arith.constant 0 : i32
        %dma_start3A_21 = tpu.memref_slice %arg4[%add3A_17, %dma_start3A_20] : memref<65536x640xf32, #tpu.memory_space<hbm>> -> memref<64x640xf32, #tpu.memory_space<hbm>>
        tpu.enqueue_dma source(%arg6 : memref<64x640xf32, #tpu.memory_space<vmem>>) target(%dma_start3A_21 : memref<64x640xf32, #tpu.memory_space<hbm>>) target_semaphore(%run_scoped3A : memref<!tpu.dma_semaphore, #tpu.memory_space<semaphore_mem>>)
        %dma_wait3A_22 = arith.constant 0 : i32
        %dma_wait3A_23 = tpu.memref_slice %arg4[%add3A_17, %dma_wait3A_22] : memref<65536x640xf32, #tpu.memory_space<hbm>> -> memref<64x640xf32, #tpu.memory_space<hbm>>
        %dma_wait3A_24 = arith.constant 0 : i32
        %dma_wait3A_25 = tpu.memref_slice %arg4[%add3A_17, %dma_wait3A_24] : memref<65536x640xf32, #tpu.memory_space<hbm>> -> memref<64x640xf32, #tpu.memory_space<hbm>>
        tpu.wait_dma2 semaphore(%run_scoped3A : memref<!tpu.dma_semaphore, #tpu.memory_space<semaphore_mem>>) src(%arg6 : memref<64x640xf32, #tpu.memory_space<vmem>>) dst(%dma_wait3A_25 : memref<64x640xf32, #tpu.memory_space<hbm>>)
        tpu.yield
      }) : () -> ()
    }
    %scan3A_7 = arith.constant 32 : i32
    return
  }
}

module attributes {stable_mosaic.version = 14 : i64} {
  func.func @_topk_body(%arg0: i32, %arg1: i32, %arg2: memref<1x128x3xf32, #tpu.memory_space<vmem>>, %arg3: memref<1x512x3xf32, #tpu.memory_space<vmem>>, %arg4: memref<1x128x16xi32, #tpu.memory_space<vmem>>) attributes {dimension_semantics = [#tpu.dimension_semantics<arbitrary>, #tpu.dimension_semantics<arbitrary>], iteration_bounds = array<i64: 2, 16>, scalar_prefetch = 0 : i64, scratch_operands = 0 : i64, tpu.core_type = #tpu.core_type<tc>, window_params = [{transform_indices = @transform_0, window_bounds = array<i64: 1, 128, 3>}, {transform_indices = @transform_1, window_bounds = array<i64: 1, 512, 3>}, {transform_indices = @transform_2, window_bounds = array<i64: 1, 128, 16>}]} {
    %get3A = arith.constant 0 : index
    %get3A_0 = arith.constant 0 : index
    %get3A_1 = arith.constant 0 : index
    %get3A_2 = vector.load %arg2[%get3A, %get3A_0, %get3A_1] : memref<1x128x3xf32, #tpu.memory_space<vmem>>, vector<1x128x3xf32>
    %get3A_3 = vector.shape_cast %get3A_2 : vector<1x128x3xf32> to vector<128x3xf32>
    %get3A_4 = arith.constant 0 : index
    %get3A_5 = arith.constant 0 : index
    %get3A_6 = arith.constant 0 : index
    %get3A_7 = vector.load %arg3[%get3A_4, %get3A_5, %get3A_6] : memref<1x512x3xf32, #tpu.memory_space<vmem>>, vector<1x512x3xf32>
    %get3A_8 = vector.shape_cast %get3A_7 : vector<1x512x3xf32> to vector<512x3xf32>
    %mul3A = arith.mulf %get3A_3, %get3A_3 : vector<128x3xf32>
    %reduce_sum3A = arith.constant dense<0.000000e+00> : vector<128xf32>
    %reduce_sum3A_9 = vector.multi_reduction <add>, %mul3A, %reduce_sum3A [1] : vector<128x3xf32> to vector<128xf32>
    %broadcast_in_dim3A = vector.shape_cast %reduce_sum3A_9 : vector<128xf32> to vector<128x1xf32>
    %mul3A_10 = arith.mulf %get3A_8, %get3A_8 : vector<512x3xf32>
    %reduce_sum3A_11 = arith.constant dense<0.000000e+00> : vector<512xf32>
    %reduce_sum3A_12 = vector.multi_reduction <add>, %mul3A_10, %reduce_sum3A_11 [1] : vector<512x3xf32> to vector<512xf32>
    %dot_general3A = arith.constant dense<0.000000e+00> : vector<128x512xf32>
    %dot_general3A_13 = tpu.matmul %get3A_3, %get3A_8, %dot_general3A {dimension_numbers = #tpu.dot_dimension_numbers<[1], [1], [0], [0], [0, 0, 1, 0], [], []>, transpose_lhs_hint = false} : vector<128x3xf32>, vector<512x3xf32>, vector<128x512xf32> -> vector<128x512xf32>
    %mul3A_14 = arith.constant -2.000000e+00 : f32
    %mul3A_15 = vector.broadcast %mul3A_14 : f32 to vector<128x512xf32>
    %mul3A_16 = arith.mulf %mul3A_15, %dot_general3A_13 : vector<128x512xf32>
    %add3A = vector.broadcast %broadcast_in_dim3A : vector<128x1xf32> to vector<128x512xf32>
    %add3A_17 = arith.addf %mul3A_16, %add3A : vector<128x512xf32>
    %broadcast_in_dim3A_18 = vector.shape_cast %reduce_sum3A_12 : vector<512xf32> to vector<1x512xf32>
    %add3A_19 = vector.broadcast %broadcast_in_dim3A_18 : vector<1x512xf32> to vector<128x512xf32>
    %add3A_20 = arith.addf %add3A_17, %add3A_19 : vector<128x512xf32>
    %iota3A = tpu.iota {dimensions = array<i32: 1>} : vector<128x512xi32>
    %reduce_min3A = arith.constant dense<0x7F800000> : vector<128xf32>
    %reduce_min3A_21 = vector.multi_reduction <minimumf>, %add3A_20, %reduce_min3A [1] : vector<128x512xf32> to vector<128xf32>
    %broadcast_in_dim3A_22 = vector.shape_cast %reduce_min3A_21 : vector<128xf32> to vector<128x1xf32>
    %eq3A = vector.broadcast %broadcast_in_dim3A_22 : vector<128x1xf32> to vector<128x512xf32>
    %eq3A_23 = arith.cmpf oeq, %add3A_20, %eq3A : vector<128x512xf32>
    %jit3A = arith.constant 512 : i32
    %broadcast_in_dim3A_24 = vector.broadcast %jit3A : i32 to vector<128x512xi32>
    %select_n3A = arith.select %eq3A_23, %iota3A, %broadcast_in_dim3A_24 : vector<128x512xi1>, vector<128x512xi32>
    %reduce_min3A_25 = arith.constant dense<2147483647> : vector<128xi32>
    %reduce_min3A_26 = vector.multi_reduction <minsi>, %select_n3A, %reduce_min3A_25 [1] : vector<128x512xi32> to vector<128xi32>
    %broadcast_in_dim3A_27 = vector.shape_cast %reduce_min3A_26 : vector<128xi32> to vector<128x1xi32>
    %broadcast_in_dim3A_28 = vector.shape_cast %reduce_min3A_26 : vector<128xi32> to vector<128x1xi32>
    %eq3A_29 = vector.broadcast %broadcast_in_dim3A_28 : vector<128x1xi32> to vector<128x512xi32>
    %eq3A_30 = arith.cmpi eq, %iota3A, %eq3A_29 : vector<128x512xi32>
    %jit3A_31 = arith.constant 0x7F800000 : f32
    %broadcast_in_dim3A_32 = vector.broadcast %jit3A_31 : f32 to vector<128x512xf32>
    %select_n3A_33 = arith.select %eq3A_30, %broadcast_in_dim3A_32, %add3A_20 : vector<128x512xi1>, vector<128x512xf32>
    %reduce_min3A_34 = arith.constant dense<0x7F800000> : vector<128xf32>
    %reduce_min3A_35 = vector.multi_reduction <minimumf>, %select_n3A_33, %reduce_min3A_34 [1] : vector<128x512xf32> to vector<128xf32>
    %broadcast_in_dim3A_36 = vector.shape_cast %reduce_min3A_35 : vector<128xf32> to vector<128x1xf32>
    %eq3A_37 = vector.broadcast %broadcast_in_dim3A_36 : vector<128x1xf32> to vector<128x512xf32>
    %eq3A_38 = arith.cmpf oeq, %select_n3A_33, %eq3A_37 : vector<128x512xf32>
    %jit3A_39 = arith.constant 512 : i32
    %broadcast_in_dim3A_40 = vector.broadcast %jit3A_39 : i32 to vector<128x512xi32>
    %select_n3A_41 = arith.select %eq3A_38, %iota3A, %broadcast_in_dim3A_40 : vector<128x512xi1>, vector<128x512xi32>
    %reduce_min3A_42 = arith.constant dense<2147483647> : vector<128xi32>
    %reduce_min3A_43 = vector.multi_reduction <minsi>, %select_n3A_41, %reduce_min3A_42 [1] : vector<128x512xi32> to vector<128xi32>
    %broadcast_in_dim3A_44 = vector.shape_cast %reduce_min3A_43 : vector<128xi32> to vector<128x1xi32>
    %broadcast_in_dim3A_45 = vector.shape_cast %reduce_min3A_43 : vector<128xi32> to vector<128x1xi32>
    %eq3A_46 = vector.broadcast %broadcast_in_dim3A_45 : vector<128x1xi32> to vector<128x512xi32>
    %eq3A_47 = arith.cmpi eq, %iota3A, %eq3A_46 : vector<128x512xi32>
    %jit3A_48 = arith.constant 0x7F800000 : f32
    %broadcast_in_dim3A_49 = vector.broadcast %jit3A_48 : f32 to vector<128x512xf32>
    %select_n3A_50 = arith.select %eq3A_47, %broadcast_in_dim3A_49, %select_n3A_33 : vector<128x512xi1>, vector<128x512xf32>
    %reduce_min3A_51 = arith.constant dense<0x7F800000> : vector<128xf32>
    %reduce_min3A_52 = vector.multi_reduction <minimumf>, %select_n3A_50, %reduce_min3A_51 [1] : vector<128x512xf32> to vector<128xf32>
    %broadcast_in_dim3A_53 = vector.shape_cast %reduce_min3A_52 : vector<128xf32> to vector<128x1xf32>
    %eq3A_54 = vector.broadcast %broadcast_in_dim3A_53 : vector<128x1xf32> to vector<128x512xf32>
    %eq3A_55 = arith.cmpf oeq, %select_n3A_50, %eq3A_54 : vector<128x512xf32>
    %jit3A_56 = arith.constant 512 : i32
    %broadcast_in_dim3A_57 = vector.broadcast %jit3A_56 : i32 to vector<128x512xi32>
    %select_n3A_58 = arith.select %eq3A_55, %iota3A, %broadcast_in_dim3A_57 : vector<128x512xi1>, vector<128x512xi32>
    %reduce_min3A_59 = arith.constant dense<2147483647> : vector<128xi32>
    %reduce_min3A_60 = vector.multi_reduction <minsi>, %select_n3A_58, %reduce_min3A_59 [1] : vector<128x512xi32> to vector<128xi32>
    %broadcast_in_dim3A_61 = vector.shape_cast %reduce_min3A_60 : vector<128xi32> to vector<128x1xi32>
    %broadcast_in_dim3A_62 = vector.shape_cast %reduce_min3A_60 : vector<128xi32> to vector<128x1xi32>
    %eq3A_63 = vector.broadcast %broadcast_in_dim3A_62 : vector<128x1xi32> to vector<128x512xi32>
    %eq3A_64 = arith.cmpi eq, %iota3A, %eq3A_63 : vector<128x512xi32>
    %jit3A_65 = arith.constant 0x7F800000 : f32
    %broadcast_in_dim3A_66 = vector.broadcast %jit3A_65 : f32 to vector<128x512xf32>
    %select_n3A_67 = arith.select %eq3A_64, %broadcast_in_dim3A_66, %select_n3A_50 : vector<128x512xi1>, vector<128x512xf32>
    %reduce_min3A_68 = arith.constant dense<0x7F800000> : vector<128xf32>
    %reduce_min3A_69 = vector.multi_reduction <minimumf>, %select_n3A_67, %reduce_min3A_68 [1] : vector<128x512xf32> to vector<128xf32>
    %broadcast_in_dim3A_70 = vector.shape_cast %reduce_min3A_69 : vector<128xf32> to vector<128x1xf32>
    %eq3A_71 = vector.broadcast %broadcast_in_dim3A_70 : vector<128x1xf32> to vector<128x512xf32>
    %eq3A_72 = arith.cmpf oeq, %select_n3A_67, %eq3A_71 : vector<128x512xf32>
    %jit3A_73 = arith.constant 512 : i32
    %broadcast_in_dim3A_74 = vector.broadcast %jit3A_73 : i32 to vector<128x512xi32>
    %select_n3A_75 = arith.select %eq3A_72, %iota3A, %broadcast_in_dim3A_74 : vector<128x512xi1>, vector<128x512xi32>
    %reduce_min3A_76 = arith.constant dense<2147483647> : vector<128xi32>
    %reduce_min3A_77 = vector.multi_reduction <minsi>, %select_n3A_75, %reduce_min3A_76 [1] : vector<128x512xi32> to vector<128xi32>
    %broadcast_in_dim3A_78 = vector.shape_cast %reduce_min3A_77 : vector<128xi32> to vector<128x1xi32>
    %broadcast_in_dim3A_79 = vector.shape_cast %reduce_min3A_77 : vector<128xi32> to vector<128x1xi32>
    %eq3A_80 = vector.broadcast %broadcast_in_dim3A_79 : vector<128x1xi32> to vector<128x512xi32>
    %eq3A_81 = arith.cmpi eq, %iota3A, %eq3A_80 : vector<128x512xi32>
    %jit3A_82 = arith.constant 0x7F800000 : f32
    %broadcast_in_dim3A_83 = vector.broadcast %jit3A_82 : f32 to vector<128x512xf32>
    %select_n3A_84 = arith.select %eq3A_81, %broadcast_in_dim3A_83, %select_n3A_67 : vector<128x512xi1>, vector<128x512xf32>
    %reduce_min3A_85 = arith.constant dense<0x7F800000> : vector<128xf32>
    %reduce_min3A_86 = vector.multi_reduction <minimumf>, %select_n3A_84, %reduce_min3A_85 [1] : vector<128x512xf32> to vector<128xf32>
    %broadcast_in_dim3A_87 = vector.shape_cast %reduce_min3A_86 : vector<128xf32> to vector<128x1xf32>
    %eq3A_88 = vector.broadcast %broadcast_in_dim3A_87 : vector<128x1xf32> to vector<128x512xf32>
    %eq3A_89 = arith.cmpf oeq, %select_n3A_84, %eq3A_88 : vector<128x512xf32>
    %jit3A_90 = arith.constant 512 : i32
    %broadcast_in_dim3A_91 = vector.broadcast %jit3A_90 : i32 to vector<128x512xi32>
    %select_n3A_92 = arith.select %eq3A_89, %iota3A, %broadcast_in_dim3A_91 : vector<128x512xi1>, vector<128x512xi32>
    %reduce_min3A_93 = arith.constant dense<2147483647> : vector<128xi32>
    %reduce_min3A_94 = vector.multi_reduction <minsi>, %select_n3A_92, %reduce_min3A_93 [1] : vector<128x512xi32> to vector<128xi32>
    %broadcast_in_dim3A_95 = vector.shape_cast %reduce_min3A_94 : vector<128xi32> to vector<128x1xi32>
    %broadcast_in_dim3A_96 = vector.shape_cast %reduce_min3A_94 : vector<128xi32> to vector<128x1xi32>
    %eq3A_97 = vector.broadcast %broadcast_in_dim3A_96 : vector<128x1xi32> to vector<128x512xi32>
    %eq3A_98 = arith.cmpi eq, %iota3A, %eq3A_97 : vector<128x512xi32>
    %jit3A_99 = arith.constant 0x7F800000 : f32
    %broadcast_in_dim3A_100 = vector.broadcast %jit3A_99 : f32 to vector<128x512xf32>
    %select_n3A_101 = arith.select %eq3A_98, %broadcast_in_dim3A_100, %select_n3A_84 : vector<128x512xi1>, vector<128x512xf32>
    %reduce_min3A_102 = arith.constant dense<0x7F800000> : vector<128xf32>
    %reduce_min3A_103 = vector.multi_reduction <minimumf>, %select_n3A_101, %reduce_min3A_102 [1] : vector<128x512xf32> to vector<128xf32>
    %broadcast_in_dim3A_104 = vector.shape_cast %reduce_min3A_103 : vector<128xf32> to vector<128x1xf32>
    %eq3A_105 = vector.broadcast %broadcast_in_dim3A_104 : vector<128x1xf32> to vector<128x512xf32>
    %eq3A_106 = arith.cmpf oeq, %select_n3A_101, %eq3A_105 : vector<128x512xf32>
    %jit3A_107 = arith.constant 512 : i32
    %broadcast_in_dim3A_108 = vector.broadcast %jit3A_107 : i32 to vector<128x512xi32>
    %select_n3A_109 = arith.select %eq3A_106, %iota3A, %broadcast_in_dim3A_108 : vector<128x512xi1>, vector<128x512xi32>
    %reduce_min3A_110 = arith.constant dense<2147483647> : vector<128xi32>
    %reduce_min3A_111 = vector.multi_reduction <minsi>, %select_n3A_109, %reduce_min3A_110 [1] : vector<128x512xi32> to vector<128xi32>
    %broadcast_in_dim3A_112 = vector.shape_cast %reduce_min3A_111 : vector<128xi32> to vector<128x1xi32>
    %broadcast_in_dim3A_113 = vector.shape_cast %reduce_min3A_111 : vector<128xi32> to vector<128x1xi32>
    %eq3A_114 = vector.broadcast %broadcast_in_dim3A_113 : vector<128x1xi32> to vector<128x512xi32>
    %eq3A_115 = arith.cmpi eq, %iota3A, %eq3A_114 : vector<128x512xi32>
    %jit3A_116 = arith.constant 0x7F800000 : f32
    %broadcast_in_dim3A_117 = vector.broadcast %jit3A_116 : f32 to vector<128x512xf32>
    %select_n3A_118 = arith.select %eq3A_115, %broadcast_in_dim3A_117, %select_n3A_101 : vector<128x512xi1>, vector<128x512xf32>
    %reduce_min3A_119 = arith.constant dense<0x7F800000> : vector<128xf32>
    %reduce_min3A_120 = vector.multi_reduction <minimumf>, %select_n3A_118, %reduce_min3A_119 [1] : vector<128x512xf32> to vector<128xf32>
    %broadcast_in_dim3A_121 = vector.shape_cast %reduce_min3A_120 : vector<128xf32> to vector<128x1xf32>
    %eq3A_122 = vector.broadcast %broadcast_in_dim3A_121 : vector<128x1xf32> to vector<128x512xf32>
    %eq3A_123 = arith.cmpf oeq, %select_n3A_118, %eq3A_122 : vector<128x512xf32>
    %jit3A_124 = arith.constant 512 : i32
    %broadcast_in_dim3A_125 = vector.broadcast %jit3A_124 : i32 to vector<128x512xi32>
    %select_n3A_126 = arith.select %eq3A_123, %iota3A, %broadcast_in_dim3A_125 : vector<128x512xi1>, vector<128x512xi32>
    %reduce_min3A_127 = arith.constant dense<2147483647> : vector<128xi32>
    %reduce_min3A_128 = vector.multi_reduction <minsi>, %select_n3A_126, %reduce_min3A_127 [1] : vector<128x512xi32> to vector<128xi32>
    %broadcast_in_dim3A_129 = vector.shape_cast %reduce_min3A_128 : vector<128xi32> to vector<128x1xi32>
    %broadcast_in_dim3A_130 = vector.shape_cast %reduce_min3A_128 : vector<128xi32> to vector<128x1xi32>
    %eq3A_131 = vector.broadcast %broadcast_in_dim3A_130 : vector<128x1xi32> to vector<128x512xi32>
    %eq3A_132 = arith.cmpi eq, %iota3A, %eq3A_131 : vector<128x512xi32>
    %jit3A_133 = arith.constant 0x7F800000 : f32
    %broadcast_in_dim3A_134 = vector.broadcast %jit3A_133 : f32 to vector<128x512xf32>
    %select_n3A_135 = arith.select %eq3A_132, %broadcast_in_dim3A_134, %select_n3A_118 : vector<128x512xi1>, vector<128x512xf32>
    %reduce_min3A_136 = arith.constant dense<0x7F800000> : vector<128xf32>
    %reduce_min3A_137 = vector.multi_reduction <minimumf>, %select_n3A_135, %reduce_min3A_136 [1] : vector<128x512xf32> to vector<128xf32>
    %broadcast_in_dim3A_138 = vector.shape_cast %reduce_min3A_137 : vector<128xf32> to vector<128x1xf32>
    %eq3A_139 = vector.broadcast %broadcast_in_dim3A_138 : vector<128x1xf32> to vector<128x512xf32>
    %eq3A_140 = arith.cmpf oeq, %select_n3A_135, %eq3A_139 : vector<128x512xf32>
    %jit3A_141 = arith.constant 512 : i32
    %broadcast_in_dim3A_142 = vector.broadcast %jit3A_141 : i32 to vector<128x512xi32>
    %select_n3A_143 = arith.select %eq3A_140, %iota3A, %broadcast_in_dim3A_142 : vector<128x512xi1>, vector<128x512xi32>
    %reduce_min3A_144 = arith.constant dense<2147483647> : vector<128xi32>
    %reduce_min3A_145 = vector.multi_reduction <minsi>, %select_n3A_143, %reduce_min3A_144 [1] : vector<128x512xi32> to vector<128xi32>
    %broadcast_in_dim3A_146 = vector.shape_cast %reduce_min3A_145 : vector<128xi32> to vector<128x1xi32>
    %broadcast_in_dim3A_147 = vector.shape_cast %reduce_min3A_145 : vector<128xi32> to vector<128x1xi32>
    %eq3A_148 = vector.broadcast %broadcast_in_dim3A_147 : vector<128x1xi32> to vector<128x512xi32>
    %eq3A_149 = arith.cmpi eq, %iota3A, %eq3A_148 : vector<128x512xi32>
    %jit3A_150 = arith.constant 0x7F800000 : f32
    %broadcast_in_dim3A_151 = vector.broadcast %jit3A_150 : f32 to vector<128x512xf32>
    %select_n3A_152 = arith.select %eq3A_149, %broadcast_in_dim3A_151, %select_n3A_135 : vector<128x512xi1>, vector<128x512xf32>
    %reduce_min3A_153 = arith.constant dense<0x7F800000> : vector<128xf32>
    %reduce_min3A_154 = vector.multi_reduction <minimumf>, %select_n3A_152, %reduce_min3A_153 [1] : vector<128x512xf32> to vector<128xf32>
    %broadcast_in_dim3A_155 = vector.shape_cast %reduce_min3A_154 : vector<128xf32> to vector<128x1xf32>
    %eq3A_156 = vector.broadcast %broadcast_in_dim3A_155 : vector<128x1xf32> to vector<128x512xf32>
    %eq3A_157 = arith.cmpf oeq, %select_n3A_152, %eq3A_156 : vector<128x512xf32>
    %jit3A_158 = arith.constant 512 : i32
    %broadcast_in_dim3A_159 = vector.broadcast %jit3A_158 : i32 to vector<128x512xi32>
    %select_n3A_160 = arith.select %eq3A_157, %iota3A, %broadcast_in_dim3A_159 : vector<128x512xi1>, vector<128x512xi32>
    %reduce_min3A_161 = arith.constant dense<2147483647> : vector<128xi32>
    %reduce_min3A_162 = vector.multi_reduction <minsi>, %select_n3A_160, %reduce_min3A_161 [1] : vector<128x512xi32> to vector<128xi32>
    %broadcast_in_dim3A_163 = vector.shape_cast %reduce_min3A_162 : vector<128xi32> to vector<128x1xi32>
    %broadcast_in_dim3A_164 = vector.shape_cast %reduce_min3A_162 : vector<128xi32> to vector<128x1xi32>
    %eq3A_165 = vector.broadcast %broadcast_in_dim3A_164 : vector<128x1xi32> to vector<128x512xi32>
    %eq3A_166 = arith.cmpi eq, %iota3A, %eq3A_165 : vector<128x512xi32>
    %jit3A_167 = arith.constant 0x7F800000 : f32
    %broadcast_in_dim3A_168 = vector.broadcast %jit3A_167 : f32 to vector<128x512xf32>
    %select_n3A_169 = arith.select %eq3A_166, %broadcast_in_dim3A_168, %select_n3A_152 : vector<128x512xi1>, vector<128x512xf32>
    %reduce_min3A_170 = arith.constant dense<0x7F800000> : vector<128xf32>
    %reduce_min3A_171 = vector.multi_reduction <minimumf>, %select_n3A_169, %reduce_min3A_170 [1] : vector<128x512xf32> to vector<128xf32>
    %broadcast_in_dim3A_172 = vector.shape_cast %reduce_min3A_171 : vector<128xf32> to vector<128x1xf32>
    %eq3A_173 = vector.broadcast %broadcast_in_dim3A_172 : vector<128x1xf32> to vector<128x512xf32>
    %eq3A_174 = arith.cmpf oeq, %select_n3A_169, %eq3A_173 : vector<128x512xf32>
    %jit3A_175 = arith.constant 512 : i32
    %broadcast_in_dim3A_176 = vector.broadcast %jit3A_175 : i32 to vector<128x512xi32>
    %select_n3A_177 = arith.select %eq3A_174, %iota3A, %broadcast_in_dim3A_176 : vector<128x512xi1>, vector<128x512xi32>
    %reduce_min3A_178 = arith.constant dense<2147483647> : vector<128xi32>
    %reduce_min3A_179 = vector.multi_reduction <minsi>, %select_n3A_177, %reduce_min3A_178 [1] : vector<128x512xi32> to vector<128xi32>
    %broadcast_in_dim3A_180 = vector.shape_cast %reduce_min3A_179 : vector<128xi32> to vector<128x1xi32>
    %broadcast_in_dim3A_181 = vector.shape_cast %reduce_min3A_179 : vector<128xi32> to vector<128x1xi32>
    %eq3A_182 = vector.broadcast %broadcast_in_dim3A_181 : vector<128x1xi32> to vector<128x512xi32>
    %eq3A_183 = arith.cmpi eq, %iota3A, %eq3A_182 : vector<128x512xi32>
    %jit3A_184 = arith.constant 0x7F800000 : f32
    %broadcast_in_dim3A_185 = vector.broadcast %jit3A_184 : f32 to vector<128x512xf32>
    %select_n3A_186 = arith.select %eq3A_183, %broadcast_in_dim3A_185, %select_n3A_169 : vector<128x512xi1>, vector<128x512xf32>
    %reduce_min3A_187 = arith.constant dense<0x7F800000> : vector<128xf32>
    %reduce_min3A_188 = vector.multi_reduction <minimumf>, %select_n3A_186, %reduce_min3A_187 [1] : vector<128x512xf32> to vector<128xf32>
    %broadcast_in_dim3A_189 = vector.shape_cast %reduce_min3A_188 : vector<128xf32> to vector<128x1xf32>
    %eq3A_190 = vector.broadcast %broadcast_in_dim3A_189 : vector<128x1xf32> to vector<128x512xf32>
    %eq3A_191 = arith.cmpf oeq, %select_n3A_186, %eq3A_190 : vector<128x512xf32>
    %jit3A_192 = arith.constant 512 : i32
    %broadcast_in_dim3A_193 = vector.broadcast %jit3A_192 : i32 to vector<128x512xi32>
    %select_n3A_194 = arith.select %eq3A_191, %iota3A, %broadcast_in_dim3A_193 : vector<128x512xi1>, vector<128x512xi32>
    %reduce_min3A_195 = arith.constant dense<2147483647> : vector<128xi32>
    %reduce_min3A_196 = vector.multi_reduction <minsi>, %select_n3A_194, %reduce_min3A_195 [1] : vector<128x512xi32> to vector<128xi32>
    %broadcast_in_dim3A_197 = vector.shape_cast %reduce_min3A_196 : vector<128xi32> to vector<128x1xi32>
    %broadcast_in_dim3A_198 = vector.shape_cast %reduce_min3A_196 : vector<128xi32> to vector<128x1xi32>
    %eq3A_199 = vector.broadcast %broadcast_in_dim3A_198 : vector<128x1xi32> to vector<128x512xi32>
    %eq3A_200 = arith.cmpi eq, %iota3A, %eq3A_199 : vector<128x512xi32>
    %jit3A_201 = arith.constant 0x7F800000 : f32
    %broadcast_in_dim3A_202 = vector.broadcast %jit3A_201 : f32 to vector<128x512xf32>
    %select_n3A_203 = arith.select %eq3A_200, %broadcast_in_dim3A_202, %select_n3A_186 : vector<128x512xi1>, vector<128x512xf32>
    %reduce_min3A_204 = arith.constant dense<0x7F800000> : vector<128xf32>
    %reduce_min3A_205 = vector.multi_reduction <minimumf>, %select_n3A_203, %reduce_min3A_204 [1] : vector<128x512xf32> to vector<128xf32>
    %broadcast_in_dim3A_206 = vector.shape_cast %reduce_min3A_205 : vector<128xf32> to vector<128x1xf32>
    %eq3A_207 = vector.broadcast %broadcast_in_dim3A_206 : vector<128x1xf32> to vector<128x512xf32>
    %eq3A_208 = arith.cmpf oeq, %select_n3A_203, %eq3A_207 : vector<128x512xf32>
    %jit3A_209 = arith.constant 512 : i32
    %broadcast_in_dim3A_210 = vector.broadcast %jit3A_209 : i32 to vector<128x512xi32>
    %select_n3A_211 = arith.select %eq3A_208, %iota3A, %broadcast_in_dim3A_210 : vector<128x512xi1>, vector<128x512xi32>
    %reduce_min3A_212 = arith.constant dense<2147483647> : vector<128xi32>
    %reduce_min3A_213 = vector.multi_reduction <minsi>, %select_n3A_211, %reduce_min3A_212 [1] : vector<128x512xi32> to vector<128xi32>
    %broadcast_in_dim3A_214 = vector.shape_cast %reduce_min3A_213 : vector<128xi32> to vector<128x1xi32>
    %broadcast_in_dim3A_215 = vector.shape_cast %reduce_min3A_213 : vector<128xi32> to vector<128x1xi32>
    %eq3A_216 = vector.broadcast %broadcast_in_dim3A_215 : vector<128x1xi32> to vector<128x512xi32>
    %eq3A_217 = arith.cmpi eq, %iota3A, %eq3A_216 : vector<128x512xi32>
    %jit3A_218 = arith.constant 0x7F800000 : f32
    %broadcast_in_dim3A_219 = vector.broadcast %jit3A_218 : f32 to vector<128x512xf32>
    %select_n3A_220 = arith.select %eq3A_217, %broadcast_in_dim3A_219, %select_n3A_203 : vector<128x512xi1>, vector<128x512xf32>
    %reduce_min3A_221 = arith.constant dense<0x7F800000> : vector<128xf32>
    %reduce_min3A_222 = vector.multi_reduction <minimumf>, %select_n3A_220, %reduce_min3A_221 [1] : vector<128x512xf32> to vector<128xf32>
    %broadcast_in_dim3A_223 = vector.shape_cast %reduce_min3A_222 : vector<128xf32> to vector<128x1xf32>
    %eq3A_224 = vector.broadcast %broadcast_in_dim3A_223 : vector<128x1xf32> to vector<128x512xf32>
    %eq3A_225 = arith.cmpf oeq, %select_n3A_220, %eq3A_224 : vector<128x512xf32>
    %jit3A_226 = arith.constant 512 : i32
    %broadcast_in_dim3A_227 = vector.broadcast %jit3A_226 : i32 to vector<128x512xi32>
    %select_n3A_228 = arith.select %eq3A_225, %iota3A, %broadcast_in_dim3A_227 : vector<128x512xi1>, vector<128x512xi32>
    %reduce_min3A_229 = arith.constant dense<2147483647> : vector<128xi32>
    %reduce_min3A_230 = vector.multi_reduction <minsi>, %select_n3A_228, %reduce_min3A_229 [1] : vector<128x512xi32> to vector<128xi32>
    %broadcast_in_dim3A_231 = vector.shape_cast %reduce_min3A_230 : vector<128xi32> to vector<128x1xi32>
    %broadcast_in_dim3A_232 = vector.shape_cast %reduce_min3A_230 : vector<128xi32> to vector<128x1xi32>
    %eq3A_233 = vector.broadcast %broadcast_in_dim3A_232 : vector<128x1xi32> to vector<128x512xi32>
    %eq3A_234 = arith.cmpi eq, %iota3A, %eq3A_233 : vector<128x512xi32>
    %jit3A_235 = arith.constant 0x7F800000 : f32
    %broadcast_in_dim3A_236 = vector.broadcast %jit3A_235 : f32 to vector<128x512xf32>
    %select_n3A_237 = arith.select %eq3A_234, %broadcast_in_dim3A_236, %select_n3A_220 : vector<128x512xi1>, vector<128x512xf32>
    %reduce_min3A_238 = arith.constant dense<0x7F800000> : vector<128xf32>
    %reduce_min3A_239 = vector.multi_reduction <minimumf>, %select_n3A_237, %reduce_min3A_238 [1] : vector<128x512xf32> to vector<128xf32>
    %broadcast_in_dim3A_240 = vector.shape_cast %reduce_min3A_239 : vector<128xf32> to vector<128x1xf32>
    %eq3A_241 = vector.broadcast %broadcast_in_dim3A_240 : vector<128x1xf32> to vector<128x512xf32>
    %eq3A_242 = arith.cmpf oeq, %select_n3A_237, %eq3A_241 : vector<128x512xf32>
    %jit3A_243 = arith.constant 512 : i32
    %broadcast_in_dim3A_244 = vector.broadcast %jit3A_243 : i32 to vector<128x512xi32>
    %select_n3A_245 = arith.select %eq3A_242, %iota3A, %broadcast_in_dim3A_244 : vector<128x512xi1>, vector<128x512xi32>
    %reduce_min3A_246 = arith.constant dense<2147483647> : vector<128xi32>
    %reduce_min3A_247 = vector.multi_reduction <minsi>, %select_n3A_245, %reduce_min3A_246 [1] : vector<128x512xi32> to vector<128xi32>
    %broadcast_in_dim3A_248 = vector.shape_cast %reduce_min3A_247 : vector<128xi32> to vector<128x1xi32>
    %broadcast_in_dim3A_249 = vector.shape_cast %reduce_min3A_247 : vector<128xi32> to vector<128x1xi32>
    %eq3A_250 = vector.broadcast %broadcast_in_dim3A_249 : vector<128x1xi32> to vector<128x512xi32>
    %eq3A_251 = arith.cmpi eq, %iota3A, %eq3A_250 : vector<128x512xi32>
    %jit3A_252 = arith.constant 0x7F800000 : f32
    %broadcast_in_dim3A_253 = vector.broadcast %jit3A_252 : f32 to vector<128x512xf32>
    %select_n3A_254 = arith.select %eq3A_251, %broadcast_in_dim3A_253, %select_n3A_237 : vector<128x512xi1>, vector<128x512xf32>
    %reduce_min3A_255 = arith.constant dense<0x7F800000> : vector<128xf32>
    %reduce_min3A_256 = vector.multi_reduction <minimumf>, %select_n3A_254, %reduce_min3A_255 [1] : vector<128x512xf32> to vector<128xf32>
    %broadcast_in_dim3A_257 = vector.shape_cast %reduce_min3A_256 : vector<128xf32> to vector<128x1xf32>
    %eq3A_258 = vector.broadcast %broadcast_in_dim3A_257 : vector<128x1xf32> to vector<128x512xf32>
    %eq3A_259 = arith.cmpf oeq, %select_n3A_254, %eq3A_258 : vector<128x512xf32>
    %jit3A_260 = arith.constant 512 : i32
    %broadcast_in_dim3A_261 = vector.broadcast %jit3A_260 : i32 to vector<128x512xi32>
    %select_n3A_262 = arith.select %eq3A_259, %iota3A, %broadcast_in_dim3A_261 : vector<128x512xi1>, vector<128x512xi32>
    %reduce_min3A_263 = arith.constant dense<2147483647> : vector<128xi32>
    %reduce_min3A_264 = vector.multi_reduction <minsi>, %select_n3A_262, %reduce_min3A_263 [1] : vector<128x512xi32> to vector<128xi32>
    %broadcast_in_dim3A_265 = vector.shape_cast %reduce_min3A_264 : vector<128xi32> to vector<128x1xi32>
    %broadcast_in_dim3A_266 = vector.shape_cast %reduce_min3A_264 : vector<128xi32> to vector<128x1xi32>
    %eq3A_267 = vector.broadcast %broadcast_in_dim3A_266 : vector<128x1xi32> to vector<128x512xi32>
    %eq3A_268 = arith.cmpi eq, %iota3A, %eq3A_267 : vector<128x512xi32>
    %jit3A_269 = arith.constant 0x7F800000 : f32
    %broadcast_in_dim3A_270 = vector.broadcast %jit3A_269 : f32 to vector<128x512xf32>
    %select_n3A_271 = arith.select %eq3A_268, %broadcast_in_dim3A_270, %select_n3A_254 : vector<128x512xi1>, vector<128x512xf32>
    %reduce_min3A_272 = arith.constant dense<0x7F800000> : vector<128xf32>
    %reduce_min3A_273 = vector.multi_reduction <minimumf>, %select_n3A_271, %reduce_min3A_272 [1] : vector<128x512xf32> to vector<128xf32>
    %broadcast_in_dim3A_274 = vector.shape_cast %reduce_min3A_273 : vector<128xf32> to vector<128x1xf32>
    %eq3A_275 = vector.broadcast %broadcast_in_dim3A_274 : vector<128x1xf32> to vector<128x512xf32>
    %eq3A_276 = arith.cmpf oeq, %select_n3A_271, %eq3A_275 : vector<128x512xf32>
    %jit3A_277 = arith.constant 512 : i32
    %broadcast_in_dim3A_278 = vector.broadcast %jit3A_277 : i32 to vector<128x512xi32>
    %select_n3A_279 = arith.select %eq3A_276, %iota3A, %broadcast_in_dim3A_278 : vector<128x512xi1>, vector<128x512xi32>
    %reduce_min3A_280 = arith.constant dense<2147483647> : vector<128xi32>
    %reduce_min3A_281 = vector.multi_reduction <minsi>, %select_n3A_279, %reduce_min3A_280 [1] : vector<128x512xi32> to vector<128xi32>
    %broadcast_in_dim3A_282 = vector.shape_cast %reduce_min3A_281 : vector<128xi32> to vector<128x1xi32>
    %concatenate3A = tpu.concatenate %broadcast_in_dim3A_27, %broadcast_in_dim3A_44, %broadcast_in_dim3A_61, %broadcast_in_dim3A_78, %broadcast_in_dim3A_95, %broadcast_in_dim3A_112, %broadcast_in_dim3A_129, %broadcast_in_dim3A_146, %broadcast_in_dim3A_163, %broadcast_in_dim3A_180, %broadcast_in_dim3A_197, %broadcast_in_dim3A_214, %broadcast_in_dim3A_231, %broadcast_in_dim3A_248, %broadcast_in_dim3A_265, %broadcast_in_dim3A_282 in 1 : vector<128x1xi32>, vector<128x1xi32>, vector<128x1xi32>, vector<128x1xi32>, vector<128x1xi32>, vector<128x1xi32>, vector<128x1xi32>, vector<128x1xi32>, vector<128x1xi32>, vector<128x1xi32>, vector<128x1xi32>, vector<128x1xi32>, vector<128x1xi32>, vector<128x1xi32>, vector<128x1xi32>, vector<128x1xi32> -> vector<128x16xi32>
    %mul3A_283 = arith.constant 512 : i32
    %mul3A_284 = arith.muli %arg0, %mul3A_283 : i32
    %add3A_285 = vector.broadcast %mul3A_284 : i32 to vector<128x16xi32>
    %add3A_286 = arith.addi %concatenate3A, %add3A_285 : vector<128x16xi32>
    %swap3A = arith.constant 0 : index
    %swap3A_287 = arith.constant 0 : index
    %swap3A_288 = arith.constant 0 : index
    %swap3A_289 = vector.load %arg4[%swap3A, %swap3A_287, %swap3A_288] : memref<1x128x16xi32, #tpu.memory_space<vmem>>, vector<1x128x16xi32>
    %swap3A_290 = vector.shape_cast %swap3A_289 : vector<1x128x16xi32> to vector<128x16xi32>
    %swap3A_291 = vector.shape_cast %add3A_286 : vector<128x16xi32> to vector<1x128x16xi32>
    tpu.vector_store %arg4[%swap3A, %swap3A_287, %swap3A_288], %swap3A_291 {strides = array<i32>} : memref<1x128x16xi32, #tpu.memory_space<vmem>>, vector<1x128x16xi32>,
    return
  }
  func.func @transform_0(%arg0: i32, %arg1: i32) -> (i32, i32, i32) {
    %c0_i32 = arith.constant 0 : i32
    %c0_i32_0 = arith.constant 0 : i32
    return %arg0, %arg1, %c0_i32 : i32, i32, i32
  }
  func.func @transform_1(%arg0: i32, %arg1: i32) -> (i32, i32, i32) {
    %c0_i32 = arith.constant 0 : i32
    %c0_i32_0 = arith.constant 0 : i32
    %c0_i32_1 = arith.constant 0 : i32
    return %arg0, %c0_i32, %c0_i32_0 : i32, i32, i32
  }
  func.func @transform_2(%arg0: i32, %arg1: i32) -> (i32, i32, i32) {
    %c0_i32 = arith.constant 0 : i32
    %c0_i32_0 = arith.constant 0 : i32
    return %arg0, %arg1, %c0_i32 : i32, i32, i32
  }
}

module attributes {stable_mosaic.version = 14 : i64} {
  func.func @_proj_body(%arg0: i32, %arg1: memref<1x512x256xf32, #tpu.memory_space<vmem>>, %arg2: memref<1x2048x256xf32, #tpu.memory_space<vmem>>, %arg3: memref<1x512x3xf32, #tpu.memory_space<vmem>>, %arg4: memref<256x256xf32, #tpu.memory_space<vmem>>, %arg5: memref<1x256xf32, #tpu.memory_space<vmem>>, %arg6: memref<256x256xf32, #tpu.memory_space<vmem>>, %arg7: memref<1x256xf32, #tpu.memory_space<vmem>>, %arg8: memref<256x256xf32, #tpu.memory_space<vmem>>, %arg9: memref<1x256xf32, #tpu.memory_space<vmem>>, %arg10: memref<256x256xf32, #tpu.memory_space<vmem>>, %arg11: memref<1x256xf32, #tpu.memory_space<vmem>>, %arg12: memref<1x512x640xf32, #tpu.memory_space<vmem>>, %arg13: memref<1x2048x256xf32, #tpu.memory_space<vmem>>) attributes {dimension_semantics = [#tpu.dimension_semantics<arbitrary>], iteration_bounds = array<i64: 2>, scalar_prefetch = 0 : i64, scratch_operands = 0 : i64, tpu.core_type = #tpu.core_type<tc>, window_params = [{transform_indices = @transform_0, window_bounds = array<i64: 1, 512, 256>}, {transform_indices = @transform_1, window_bounds = array<i64: 1, 2048, 256>}, {transform_indices = @transform_2, window_bounds = array<i64: 1, 512, 3>}, {pipeline_mode = #tpu.pipeline_mode<synchronous>, transform_indices = @transform_3, window_bounds = array<i64: 256, 256>}, {pipeline_mode = #tpu.pipeline_mode<synchronous>, transform_indices = @transform_4, window_bounds = array<i64: 1, 256>}, {pipeline_mode = #tpu.pipeline_mode<synchronous>, transform_indices = @transform_5, window_bounds = array<i64: 256, 256>}, {pipeline_mode = #tpu.pipeline_mode<synchronous>, transform_indices = @transform_6, window_bounds = array<i64: 1, 256>}, {pipeline_mode = #tpu.pipeline_mode<synchronous>, transform_indices = @transform_7, window_bounds = array<i64: 256, 256>}, {pipeline_mode = #tpu.pipeline_mode<synchronous>, transform_indices = @transform_8, window_bounds = array<i64: 1, 256>}, {pipeline_mode = #tpu.pipeline_mode<synchronous>, transform_indices = @transform_9, window_bounds = array<i64: 256, 256>}, {pipeline_mode = #tpu.pipeline_mode<synchronous>, transform_indices = @transform_10, window_bounds = array<i64: 1, 256>}, {transform_indices = @transform_11, window_bounds = array<i64: 1, 512, 640>}, {transform_indices = @transform_12, window_bounds = array<i64: 1, 2048, 256>}]} {
    %get3A = arith.constant 0 : index
    %get3A_0 = arith.constant 0 : index
    %get3A_1 = arith.constant 0 : index
    %get3A_2 = vector.load %arg1[%get3A, %get3A_0, %get3A_1] : memref<1x512x256xf32, #tpu.memory_space<vmem>>, vector<1x512x256xf32>
    %get3A_3 = vector.shape_cast %get3A_2 : vector<1x512x256xf32> to vector<512x256xf32>
    %get3A_4 = arith.constant 0 : index
    %get3A_5 = arith.constant 0 : index
    %get3A_6 = vector.load %arg4[%get3A_4, %get3A_5] : memref<256x256xf32, #tpu.memory_space<vmem>>, vector<256x256xf32>
    %dot_general3A = arith.constant dense<0.000000e+00> : vector<512x256xf32>
    %dot_general3A_7 = tpu.matmul %get3A_3, %get3A_6, %dot_general3A {dimension_numbers = #tpu.dot_dimension_numbers<[1], [1], [0], [0], [0, 0, 1, 0], [], []>, transpose_lhs_hint = false} : vector<512x256xf32>, vector<256x256xf32>, vector<512x256xf32> -> vector<512x256xf32>
    %get3A_8 = arith.constant 0 : index
    %get3A_9 = arith.constant 0 : index
    %get3A_10 = vector.load %arg5[%get3A_8, %get3A_9] : memref<1x256xf32, #tpu.memory_space<vmem>>, vector<1x256xf32>
    %add3A = vector.broadcast %get3A_10 : vector<1x256xf32> to vector<512x256xf32>
    %add3A_11 = arith.addf %dot_general3A_7, %add3A : vector<512x256xf32>
    %get3A_12 = arith.constant 0 : index
    %get3A_13 = arith.constant 0 : index
    %get3A_14 = vector.load %arg6[%get3A_12, %get3A_13] : memref<256x256xf32, #tpu.memory_space<vmem>>, vector<256x256xf32>
    %dot_general3A_15 = arith.constant dense<0.000000e+00> : vector<512x256xf32>
    %dot_general3A_16 = tpu.matmul %add3A_11, %get3A_14, %dot_general3A_15 {dimension_numbers = #tpu.dot_dimension_numbers<[1], [1], [0], [0], [0, 0, 1, 0], [], []>, transpose_lhs_hint = false} : vector<512x256xf32>, vector<256x256xf32>, vector<512x256xf32> -> vector<512x256xf32>
    %get3A_17 = arith.constant 0 : index
    %get3A_18 = arith.constant 0 : index
    %get3A_19 = vector.load %arg7[%get3A_17, %get3A_18] : memref<1x256xf32, #tpu.memory_space<vmem>>, vector<1x256xf32>
    %add3A_20 = vector.broadcast %get3A_19 : vector<1x256xf32> to vector<512x256xf32>
    %add3A_21 = arith.addf %dot_general3A_16, %add3A_20 : vector<512x256xf32>
    %get3A_22 = arith.constant 0 : index
    %get3A_23 = arith.constant 0 : index
    %get3A_24 = vector.load %arg8[%get3A_22, %get3A_23] : memref<256x256xf32, #tpu.memory_space<vmem>>, vector<256x256xf32>
    %dot_general3A_25 = arith.constant dense<0.000000e+00> : vector<512x256xf32>
    %dot_general3A_26 = tpu.matmul %add3A_11, %get3A_24, %dot_general3A_25 {dimension_numbers = #tpu.dot_dimension_numbers<[1], [1], [0], [0], [0, 0, 1, 0], [], []>, transpose_lhs_hint = false} : vector<512x256xf32>, vector<256x256xf32>, vector<512x256xf32> -> vector<512x256xf32>
    %get3A_27 = arith.constant 0 : index
    %get3A_28 = arith.constant 0 : index
    %get3A_29 = vector.load %arg9[%get3A_27, %get3A_28] : memref<1x256xf32, #tpu.memory_space<vmem>>, vector<1x256xf32>
    %add3A_30 = vector.broadcast %get3A_29 : vector<1x256xf32> to vector<512x256xf32>
    %add3A_31 = arith.addf %dot_general3A_26, %add3A_30 : vector<512x256xf32>
    %get3A_32 = arith.constant 0 : index
    %get3A_33 = arith.constant 0 : index
    %get3A_34 = arith.constant 0 : index
    %get3A_35 = vector.load %arg3[%get3A_32, %get3A_33, %get3A_34] : memref<1x512x3xf32, #tpu.memory_space<vmem>>, vector<1x512x3xf32>
    %get3A_36 = vector.shape_cast %get3A_35 : vector<1x512x3xf32> to vector<512x3xf32>
    %broadcast_in_dim3A = arith.constant 0.000000e+00 : f32
    %broadcast_in_dim3A_37 = vector.broadcast %broadcast_in_dim3A : f32 to vector<512x125xf32>
    %concatenate3A = tpu.concatenate %add3A_21, %add3A_31, %get3A_36, %broadcast_in_dim3A_37 in 1 : vector<512x256xf32>, vector<512x256xf32>, vector<512x3xf32>, vector<512x125xf32> -> vector<512x640xf32>
    %swap3A = arith.constant 0 : index
    %swap3A_38 = arith.constant 0 : index
    %swap3A_39 = arith.constant 0 : index
    %swap3A_40 = vector.load %arg12[%swap3A, %swap3A_38, %swap3A_39] : memref<1x512x640xf32, #tpu.memory_space<vmem>>, vector<1x512x640xf32>
    %swap3A_41 = vector.shape_cast %swap3A_40 : vector<1x512x640xf32> to vector<512x640xf32>
    %swap3A_42 = vector.shape_cast %concatenate3A : vector<512x640xf32> to vector<1x512x640xf32>
    tpu.vector_store %arg12[%swap3A, %swap3A_38, %swap3A_39], %swap3A_42 {strides = array<i32>} : memref<1x512x640xf32, #tpu.memory_space<vmem>>, vector<1x512x640xf32>,
    %get3A_43 = arith.constant 0 : index
    %get3A_44 = arith.constant 0 : index
    %get3A_45 = arith.constant 0 : index
    %get3A_46 = vector.load %arg2[%get3A_43, %get3A_44, %get3A_45] : memref<1x2048x256xf32, #tpu.memory_space<vmem>>, vector<1x2048x256xf32>
    %get3A_47 = vector.shape_cast %get3A_46 : vector<1x2048x256xf32> to vector<2048x256xf32>
    %get3A_48 = arith.constant 0 : index
    %get3A_49 = arith.constant 0 : index
    %get3A_50 = vector.load %arg10[%get3A_48, %get3A_49] : memref<256x256xf32, #tpu.memory_space<vmem>>, vector<256x256xf32>
    %dot_general3A_51 = arith.constant dense<0.000000e+00> : vector<2048x256xf32>
    %dot_general3A_52 = tpu.matmul %get3A_47, %get3A_50, %dot_general3A_51 {dimension_numbers = #tpu.dot_dimension_numbers<[1], [1], [0], [0], [0, 0, 1, 0], [], []>, transpose_lhs_hint = false} : vector<2048x256xf32>, vector<256x256xf32>, vector<2048x256xf32> -> vector<2048x256xf32>
    %get3A_53 = arith.constant 0 : index
    %get3A_54 = arith.constant 0 : index
    %get3A_55 = vector.load %arg11[%get3A_53, %get3A_54] : memref<1x256xf32, #tpu.memory_space<vmem>>, vector<1x256xf32>
    %add3A_56 = vector.broadcast %get3A_55 : vector<1x256xf32> to vector<2048x256xf32>
    %add3A_57 = arith.addf %dot_general3A_52, %add3A_56 : vector<2048x256xf32>
    %swap3A_58 = arith.constant 0 : index
    %swap3A_59 = arith.constant 0 : index
    %swap3A_60 = arith.constant 0 : index
    %swap3A_61 = vector.load %arg13[%swap3A_58, %swap3A_59, %swap3A_60] : memref<1x2048x256xf32, #tpu.memory_space<vmem>>, vector<1x2048x256xf32>
    %swap3A_62 = vector.shape_cast %swap3A_61 : vector<1x2048x256xf32> to vector<2048x256xf32>
    %swap3A_63 = vector.shape_cast %add3A_57 : vector<2048x256xf32> to vector<1x2048x256xf32>
    tpu.vector_store %arg13[%swap3A_58, %swap3A_59, %swap3A_60], %swap3A_63 {strides = array<i32>} : memref<1x2048x256xf32, #tpu.memory_space<vmem>>, vector<1x2048x256xf32>,
    return
  }
  func.func @transform_0(%arg0: i32) -> (i32, i32, i32) {
    %c0_i32 = arith.constant 0 : i32
    %c0_i32_0 = arith.constant 0 : i32
    %c0_i32_1 = arith.constant 0 : i32
    return %arg0, %c0_i32, %c0_i32_0 : i32, i32, i32
  }
  func.func @transform_1(%arg0: i32) -> (i32, i32, i32) {
    %c0_i32 = arith.constant 0 : i32
    %c0_i32_0 = arith.constant 0 : i32
    %c0_i32_1 = arith.constant 0 : i32
    return %arg0, %c0_i32, %c0_i32_0 : i32, i32, i32
  }
  func.func @transform_2(%arg0: i32) -> (i32, i32, i32) {
    %c0_i32 = arith.constant 0 : i32
    %c0_i32_0 = arith.constant 0 : i32
    %c0_i32_1 = arith.constant 0 : i32
    return %arg0, %c0_i32, %c0_i32_0 : i32, i32, i32
  }
  func.func @transform_3(%arg0: i32) -> (i32, i32) {
    %c0_i32 = arith.constant 0 : i32
    %c0_i32_0 = arith.constant 0 : i32
    %c0_i32_1 = arith.constant 0 : i32
    return %c0_i32, %c0_i32_0 : i32, i32
  }
  func.func @transform_4(%arg0: i32) -> (i32, i32) {
    %c0_i32 = arith.constant 0 : i32
    %c0_i32_0 = arith.constant 0 : i32
    %c0_i32_1 = arith.constant 0 : i32
    return %c0_i32, %c0_i32_0 : i32, i32
  }
  func.func @transform_5(%arg0: i32) -> (i32, i32) {
    %c0_i32 = arith.constant 0 : i32
    %c0_i32_0 = arith.constant 0 : i32
    %c0_i32_1 = arith.constant 0 : i32
    return %c0_i32, %c0_i32_0 : i32, i32
  }
  func.func @transform_6(%arg0: i32) -> (i32, i32) {
    %c0_i32 = arith.constant 0 : i32
    %c0_i32_0 = arith.constant 0 : i32
    %c0_i32_1 = arith.constant 0 : i32
    return %c0_i32, %c0_i32_0 : i32, i32
  }
  func.func @transform_7(%arg0: i32) -> (i32, i32) {
    %c0_i32 = arith.constant 0 : i32
    %c0_i32_0 = arith.constant 0 : i32
    %c0_i32_1 = arith.constant 0 : i32
    return %c0_i32, %c0_i32_0 : i32, i32
  }
  func.func @transform_8(%arg0: i32) -> (i32, i32) {
    %c0_i32 = arith.constant 0 : i32
    %c0_i32_0 = arith.constant 0 : i32
    %c0_i32_1 = arith.constant 0 : i32
    return %c0_i32, %c0_i32_0 : i32, i32
  }
  func.func @transform_9(%arg0: i32) -> (i32, i32) {
    %c0_i32 = arith.constant 0 : i32
    %c0_i32_0 = arith.constant 0 : i32
    %c0_i32_1 = arith.constant 0 : i32
    return %c0_i32, %c0_i32_0 : i32, i32
  }
  func.func @transform_10(%arg0: i32) -> (i32, i32) {
    %c0_i32 = arith.constant 0 : i32
    %c0_i32_0 = arith.constant 0 : i32
    %c0_i32_1 = arith.constant 0 : i32
    return %c0_i32, %c0_i32_0 : i32, i32
  }
  func.func @transform_11(%arg0: i32) -> (i32, i32, i32) {
    %c0_i32 = arith.constant 0 : i32
    %c0_i32_0 = arith.constant 0 : i32
    %c0_i32_1 = arith.constant 0 : i32
    return %arg0, %c0_i32, %c0_i32_0 : i32, i32, i32
  }
  func.func @transform_12(%arg0: i32) -> (i32, i32, i32) {
    %c0_i32 = arith.constant 0 : i32
    %c0_i32_0 = arith.constant 0 : i32
    %c0_i32_1 = arith.constant 0 : i32
    return %arg0, %c0_i32, %c0_i32_0 : i32, i32, i32
  }
}

module attributes {stable_mosaic.version = 14 : i64} {
  func.func @_stats1_body(%arg0: i32, %arg1: i32, %arg2: memref<1x2048x128xf32, #tpu.memory_space<vmem>>, %arg3: memref<1x128x3xf32, #tpu.memory_space<vmem>>, %arg4: memref<64x4xf32, #tpu.memory_space<vmem>>, %arg5: memref<1x64xf32, #tpu.memory_space<vmem>>, %arg6: memref<1x2x64xf32, #tpu.memory_space<vmem>>) attributes {dimension_semantics = [#tpu.dimension_semantics<arbitrary>, #tpu.dimension_semantics<arbitrary>], iteration_bounds = array<i64: 2, 16>, scalar_prefetch = 0 : i64, scratch_operands = 0 : i64, tpu.core_type = #tpu.core_type<tc>, window_params = [{transform_indices = @transform_0, window_bounds = array<i64: 1, 2048, 128>}, {transform_indices = @transform_1, window_bounds = array<i64: 1, 128, 3>}, {pipeline_mode = #tpu.pipeline_mode<synchronous>, transform_indices = @transform_2, window_bounds = array<i64: 64, 4>}, {pipeline_mode = #tpu.pipeline_mode<synchronous>, transform_indices = @transform_3, window_bounds = array<i64: 1, 64>}, {transform_indices = @transform_4, window_bounds = array<i64: 1, 2, 64>}]} {
    %get3A = arith.constant 0 : index
    %get3A_0 = arith.constant 0 : index
    %get3A_1 = arith.constant 0 : index
    %get3A_2 = vector.load %arg2[%get3A, %get3A_0, %get3A_1] : memref<1x2048x128xf32, #tpu.memory_space<vmem>>, vector<1x2048x128xf32>
    %get3A_3 = vector.shape_cast %get3A_2 : vector<1x2048x128xf32> to vector<2048x128xf32>
    %slice3A = vector.extract_strided_slice %get3A_3 {offsets = [0, 0], sizes = [2048, 3], strides = [1, 1]} : vector<2048x128xf32> to vector<2048x3xf32>
    %get3A_4 = arith.constant 0 : index
    %get3A_5 = arith.constant 0 : index
    %get3A_6 = arith.constant 0 : index
    %get3A_7 = vector.load %arg3[%get3A_4, %get3A_5, %get3A_6] : memref<1x128x3xf32, #tpu.memory_space<vmem>>, vector<1x128x3xf32>
    %get3A_8 = vector.shape_cast %get3A_7 : vector<1x128x3xf32> to vector<128x3xf32>
    %broadcast_in_dim3A = vector.shape_cast %get3A_8 : vector<128x3xf32> to vector<128x1x3xf32>
    %broadcast_in_dim3A_9 = vector.shape_cast %broadcast_in_dim3A : vector<128x1x3xf32> to vector<128x1x3xf32>
    %broadcast_in_dim3A_10 = vector.broadcast %broadcast_in_dim3A_9 : vector<128x1x3xf32> to vector<128x16x3xf32>
    %reshape3A = vector.shape_cast %broadcast_in_dim3A_10 : vector<128x16x3xf32> to vector<2048x3xf32>
    %sub3A = arith.subf %reshape3A, %slice3A : vector<2048x3xf32>
    %mul3A = arith.mulf %sub3A, %sub3A : vector<2048x3xf32>
    %reduce_sum3A = arith.constant dense<0.000000e+00> : vector<2048xf32>
    %reduce_sum3A_11 = vector.multi_reduction <add>, %mul3A, %reduce_sum3A [1] : vector<2048x3xf32> to vector<2048xf32>
    %broadcast_in_dim3A_12 = vector.shape_cast %reduce_sum3A_11 : vector<2048xf32> to vector<2048x1xf32>
    %sqrt3A = math.sqrt %broadcast_in_dim3A_12 : vector<2048x1xf32>
    %concatenate3A = tpu.concatenate %sqrt3A, %sub3A in 1 : vector<2048x1xf32>, vector<2048x3xf32> -> vector<2048x4xf32>
    %get3A_13 = arith.constant 0 : index
    %get3A_14 = arith.constant 0 : index
    %get3A_15 = vector.load %arg4[%get3A_13, %get3A_14] : memref<64x4xf32, #tpu.memory_space<vmem>>, vector<64x4xf32>
    %dot_general3A = arith.constant dense<0.000000e+00> : vector<2048x64xf32>
    %dot_general3A_16 = tpu.matmul %concatenate3A, %get3A_15, %dot_general3A {dimension_numbers = #tpu.dot_dimension_numbers<[1], [1], [0], [0], [0, 0, 1, 0], [], []>, transpose_lhs_hint = false} : vector<2048x4xf32>, vector<64x4xf32>, vector<2048x64xf32> -> vector<2048x64xf32>
    %get3A_17 = arith.constant 0 : index
    %get3A_18 = arith.constant 0 : index
    %get3A_19 = vector.load %arg5[%get3A_17, %get3A_18] : memref<1x64xf32, #tpu.memory_space<vmem>>, vector<1x64xf32>
    %add3A = vector.broadcast %get3A_19 : vector<1x64xf32> to vector<2048x64xf32>
    %add3A_20 = arith.addf %dot_general3A_16, %add3A : vector<2048x64xf32>
    %reduce_sum3A_21 = arith.constant dense<0.000000e+00> : vector<64xf32>
    %reduce_sum3A_22 = vector.multi_reduction <add>, %add3A_20, %reduce_sum3A_21 [0] : vector<2048x64xf32> to vector<64xf32>
    %swap3A = arith.constant 0 : index
    %swap3A_23 = arith.constant 0 : index
    %swap3A_24 = arith.constant 0 : index
    %swap3A_25 = vector.load %arg6[%swap3A, %swap3A_23, %swap3A_24] : memref<1x2x64xf32, #tpu.memory_space<vmem>>, vector<1x1x64xf32>
    %swap3A_26 = vector.shape_cast %swap3A_25 : vector<1x1x64xf32> to vector<64xf32>
    %swap3A_27 = vector.shape_cast %reduce_sum3A_22 : vector<64xf32> to vector<1x1x64xf32>
    tpu.vector_store %arg6[%swap3A, %swap3A_23, %swap3A_24], %swap3A_27 {strides = array<i32>} : memref<1x2x64xf32, #tpu.memory_space<vmem>>, vector<1x1x64xf32>,
    %mul3A_28 = arith.mulf %add3A_20, %add3A_20 : vector<2048x64xf32>
    %reduce_sum3A_29 = arith.constant dense<0.000000e+00> : vector<64xf32>
    %reduce_sum3A_30 = vector.multi_reduction <add>, %mul3A_28, %reduce_sum3A_29 [0] : vector<2048x64xf32> to vector<64xf32>
    %swap3A_31 = arith.constant 0 : index
    %swap3A_32 = arith.constant 1 : index
    %swap3A_33 = arith.constant 0 : index
    %swap3A_34 = vector.load %arg6[%swap3A_31, %swap3A_32, %swap3A_33] : memref<1x2x64xf32, #tpu.memory_space<vmem>>, vector<1x1x64xf32>
    %swap3A_35 = vector.shape_cast %swap3A_34 : vector<1x1x64xf32> to vector<64xf32>
    %swap3A_36 = vector.shape_cast %reduce_sum3A_30 : vector<64xf32> to vector<1x1x64xf32>
    tpu.vector_store %arg6[%swap3A_31, %swap3A_32, %swap3A_33], %swap3A_36 {strides = array<i32>} : memref<1x2x64xf32, #tpu.memory_space<vmem>>, vector<1x1x64xf32>,
    return
  }
  func.func @transform_0(%arg0: i32, %arg1: i32) -> (i32, i32, i32) {
    %c4_i32 = arith.constant 4 : i32
    %c0_i32 = arith.constant 0 : i32
    return %arg0, %arg1, %c4_i32 : i32, i32, i32
  }
  func.func @transform_1(%arg0: i32, %arg1: i32) -> (i32, i32, i32) {
    %c0_i32 = arith.constant 0 : i32
    %c0_i32_0 = arith.constant 0 : i32
    return %arg0, %arg1, %c0_i32 : i32, i32, i32
  }
  func.func @transform_2(%arg0: i32, %arg1: i32) -> (i32, i32) {
    %c0_i32 = arith.constant 0 : i32
    %c0_i32_0 = arith.constant 0 : i32
    %c0_i32_1 = arith.constant 0 : i32
    return %c0_i32, %c0_i32_0 : i32, i32
  }
  func.func @transform_3(%arg0: i32, %arg1: i32) -> (i32, i32) {
    %c0_i32 = arith.constant 0 : i32
    %c0_i32_0 = arith.constant 0 : i32
    %c0_i32_1 = arith.constant 0 : i32
    return %c0_i32, %c0_i32_0 : i32, i32
  }
  func.func @transform_4(%arg0: i32, %arg1: i32) -> (i32, i32, i32) {
    %mul3A = arith.constant 16 : i32
    %mul3A_0 = arith.muli %arg0, %mul3A : i32
    %add3A = arith.addi %mul3A_0, %arg1 : i32
    %c0_i32 = arith.constant 0 : i32
    %c0_i32_1 = arith.constant 0 : i32
    %c0_i32_2 = arith.constant 0 : i32
    return %add3A, %c0_i32, %c0_i32_1 : i32, i32, i32
  }
}

module attributes {stable_mosaic.version = 14 : i64} {
  func.func @_pass2_body(%arg0: i32, %arg1: i32, %arg2: memref<1x2048x640xf32, #tpu.memory_space<vmem>>, %arg3: memref<1x128x3xf32, #tpu.memory_space<vmem>>, %arg4: memref<1x128x256xf32, #tpu.memory_space<vmem>>, %arg5: memref<32x2x64xf32, #tpu.memory_space<vmem>>, %arg6: memref<64x4xf32, #tpu.memory_space<vmem>>, %arg7: memref<1x64xf32, #tpu.memory_space<vmem>>, %arg8: memref<1x64xf32, #tpu.memory_space<vmem>>, %arg9: memref<1x64xf32, #tpu.memory_space<vmem>>, %arg10: memref<256x64xf32, #tpu.memory_space<vmem>>, %arg11: memref<1x256xf32, #tpu.memory_space<vmem>>, %arg12: memref<512x256xf32, #tpu.memory_space<vmem>>, %arg13: memref<1x512xf32, #tpu.memory_space<vmem>>, %arg14: memref<1x2048x512xf32, #tpu.memory_space<vmem>>, %arg15: memref<1x2048x256xf32, #tpu.memory_space<vmem>>, %arg16: memref<1x2x512xf32, #tpu.memory_space<vmem>>) attributes {dimension_semantics = [#tpu.dimension_semantics<arbitrary>, #tpu.dimension_semantics<arbitrary>], iteration_bounds = array<i64: 2, 16>, scalar_prefetch = 0 : i64, scratch_operands = 0 : i64, tpu.core_type = #tpu.core_type<tc>, window_params = [{transform_indices = @transform_0, window_bounds = array<i64: 1, 2048, 640>}, {transform_indices = @transform_1, window_bounds = array<i64: 1, 128, 3>}, {transform_indices = @transform_2, window_bounds = array<i64: 1, 128, 256>}, {pipeline_mode = #tpu.pipeline_mode<synchronous>, transform_indices = @transform_3, window_bounds = array<i64: 32, 2, 64>}, {pipeline_mode = #tpu.pipeline_mode<synchronous>, transform_indices = @transform_4, window_bounds = array<i64: 64, 4>}, {pipeline_mode = #tpu.pipeline_mode<synchronous>, transform_indices = @transform_5, window_bounds = array<i64: 1, 64>}, {pipeline_mode = #tpu.pipeline_mode<synchronous>, transform_indices = @transform_6, window_bounds = array<i64: 1, 64>}, {pipeline_mode = #tpu.pipeline_mode<synchronous>, transform_indices = @transform_7, window_bounds = array<i64: 1, 64>}, {pipeline_mode = #tpu.pipeline_mode<synchronous>, transform_indices = @transform_8, window_bounds = array<i64: 256, 64>}, {pipeline_mode = #tpu.pipeline_mode<synchronous>, transform_indices = @transform_9, window_bounds = array<i64: 1, 256>}, {pipeline_mode = #tpu.pipeline_mode<synchronous>, transform_indices = @transform_10, window_bounds = array<i64: 512, 256>}, {pipeline_mode = #tpu.pipeline_mode<synchronous>, transform_indices = @transform_11, window_bounds = array<i64: 1, 512>}, {transform_indices = @transform_12, window_bounds = array<i64: 1, 2048, 512>}, {transform_indices = @transform_13, window_bounds = array<i64: 1, 2048, 256>}, {transform_indices = @transform_14, window_bounds = array<i64: 1, 2, 512>}]} {
    %get3A = arith.constant 0 : index
    %get3A_0 = arith.constant 0 : index
    %get3A_1 = arith.constant 0 : index
    %get3A_2 = vector.load %arg2[%get3A, %get3A_0, %get3A_1] : memref<1x2048x640xf32, #tpu.memory_space<vmem>>, vector<1x2048x640xf32>
    %get3A_3 = vector.shape_cast %get3A_2 : vector<1x2048x640xf32> to vector<2048x640xf32>
    %slice3A = vector.extract_strided_slice %get3A_3 {offsets = [0, 512], sizes = [2048, 3], strides = [1, 1]} : vector<2048x640xf32> to vector<2048x3xf32>
    %get3A_4 = arith.constant 0 : index
    %get3A_5 = arith.constant 0 : index
    %get3A_6 = arith.constant 0 : index
    %get3A_7 = vector.load %arg3[%get3A_4, %get3A_5, %get3A_6] : memref<1x128x3xf32, #tpu.memory_space<vmem>>, vector<1x128x3xf32>
    %get3A_8 = vector.shape_cast %get3A_7 : vector<1x128x3xf32> to vector<128x3xf32>
    %broadcast_in_dim3A = vector.shape_cast %get3A_8 : vector<128x3xf32> to vector<128x1x3xf32>
    %broadcast_in_dim3A_9 = vector.shape_cast %broadcast_in_dim3A : vector<128x1x3xf32> to vector<128x1x3xf32>
    %broadcast_in_dim3A_10 = vector.broadcast %broadcast_in_dim3A_9 : vector<128x1x3xf32> to vector<128x16x3xf32>
    %reshape3A = vector.shape_cast %broadcast_in_dim3A_10 : vector<128x16x3xf32> to vector<2048x3xf32>
    %sub3A = arith.subf %reshape3A, %slice3A : vector<2048x3xf32>
    %mul3A = arith.mulf %sub3A, %sub3A : vector<2048x3xf32>
    %reduce_sum3A = arith.constant dense<0.000000e+00> : vector<2048xf32>
    %reduce_sum3A_11 = vector.multi_reduction <add>, %mul3A, %reduce_sum3A [1] : vector<2048x3xf32> to vector<2048xf32>
    %broadcast_in_dim3A_12 = vector.shape_cast %reduce_sum3A_11 : vector<2048xf32> to vector<2048x1xf32>
    %sqrt3A = math.sqrt %broadcast_in_dim3A_12 : vector<2048x1xf32>
    %concatenate3A = tpu.concatenate %sqrt3A, %sub3A in 1 : vector<2048x1xf32>, vector<2048x3xf32> -> vector<2048x4xf32>
    %get3A_13 = arith.constant 0 : index
    %get3A_14 = arith.constant 0 : index
    %get3A_15 = vector.load %arg6[%get3A_13, %get3A_14] : memref<64x4xf32, #tpu.memory_space<vmem>>, vector<64x4xf32>
    %dot_general3A = arith.constant dense<0.000000e+00> : vector<2048x64xf32>
    %dot_general3A_16 = tpu.matmul %concatenate3A, %get3A_15, %dot_general3A {dimension_numbers = #tpu.dot_dimension_numbers<[1], [1], [0], [0], [0, 0, 1, 0], [], []>, transpose_lhs_hint = false} : vector<2048x4xf32>, vector<64x4xf32>, vector<2048x64xf32> -> vector<2048x64xf32>
    %get3A_17 = arith.constant 0 : index
    %get3A_18 = arith.constant 0 : index
    %get3A_19 = vector.load %arg7[%get3A_17, %get3A_18] : memref<1x64xf32, #tpu.memory_space<vmem>>, vector<1x64xf32>
    %add3A = vector.broadcast %get3A_19 : vector<1x64xf32> to vector<2048x64xf32>
    %add3A_20 = arith.addf %dot_general3A_16, %add3A : vector<2048x64xf32>
    %get3A_21 = arith.constant 0 : index
    %get3A_22 = arith.constant 0 : index
    %get3A_23 = arith.constant 0 : index
    %get3A_24 = vector.load %arg5[%get3A_21, %get3A_22, %get3A_23] : memref<32x2x64xf32, #tpu.memory_space<vmem>>, vector<32x2x64xf32>
    %slice3A_25 = vector.extract_strided_slice %get3A_24 {offsets = [0, 0, 0], sizes = [32, 1, 64], strides = [1, 1, 1]} : vector<32x2x64xf32> to vector<32x1x64xf32>
    %squeeze3A = vector.shape_cast %slice3A_25 : vector<32x1x64xf32> to vector<32x64xf32>
    %reduce_sum3A_26 = arith.constant dense<0.000000e+00> : vector<64xf32>
    %reduce_sum3A_27 = vector.multi_reduction <add>, %squeeze3A, %reduce_sum3A_26 [0] : vector<32x64xf32> to vector<64xf32>
    %div3A = arith.constant 6.553600e+04 : f32
    %div3A_28 = vector.broadcast %div3A : f32 to vector<64xf32>
    %div3A_29 = arith.divf %reduce_sum3A_27, %div3A_28 : vector<64xf32>
    %broadcast_in_dim3A_30 = vector.shape_cast %div3A_29 : vector<64xf32> to vector<1x64xf32>
    %slice3A_31 = vector.extract_strided_slice %get3A_24 {offsets = [0, 1, 0], sizes = [32, 1, 64], strides = [1, 1, 1]} : vector<32x2x64xf32> to vector<32x1x64xf32>
    %squeeze3A_32 = vector.shape_cast %slice3A_31 : vector<32x1x64xf32> to vector<32x64xf32>
    %reduce_sum3A_33 = arith.constant dense<0.000000e+00> : vector<64xf32>
    %reduce_sum3A_34 = vector.multi_reduction <add>, %squeeze3A_32, %reduce_sum3A_33 [0] : vector<32x64xf32> to vector<64xf32>
    %div3A_35 = arith.constant 6.553600e+04 : f32
    %div3A_36 = vector.broadcast %div3A_35 : f32 to vector<64xf32>
    %div3A_37 = arith.divf %reduce_sum3A_34, %div3A_36 : vector<64xf32>
    %broadcast_in_dim3A_38 = vector.shape_cast %div3A_37 : vector<64xf32> to vector<1x64xf32>
    %mul3A_39 = arith.mulf %broadcast_in_dim3A_30, %broadcast_in_dim3A_30 : vector<1x64xf32>
    %sub3A_40 = arith.subf %broadcast_in_dim3A_38, %mul3A_39 : vector<1x64xf32>
    %sub3A_41 = vector.broadcast %broadcast_in_dim3A_30 : vector<1x64xf32> to vector<2048x64xf32>
    %sub3A_42 = arith.subf %add3A_20, %sub3A_41 : vector<2048x64xf32>
    %add3A_43 = arith.constant 9.99999974E-6 : f32
    %add3A_44 = vector.broadcast %add3A_43 : f32 to vector<1x64xf32>
    %add3A_45 = arith.addf %sub3A_40, %add3A_44 : vector<1x64xf32>
    %sqrt3A_46 = math.sqrt %add3A_45 : vector<1x64xf32>
    %div3A_47 = vector.broadcast %sqrt3A_46 : vector<1x64xf32> to vector<2048x64xf32>
    %div3A_48 = arith.divf %sub3A_42, %div3A_47 : vector<2048x64xf32>
    %get3A_49 = arith.constant 0 : index
    %get3A_50 = arith.constant 0 : index
    %get3A_51 = vector.load %arg8[%get3A_49, %get3A_50] : memref<1x64xf32, #tpu.memory_space<vmem>>, vector<1x64xf32>
    %mul3A_52 = vector.broadcast %get3A_51 : vector<1x64xf32> to vector<2048x64xf32>
    %mul3A_53 = arith.mulf %div3A_48, %mul3A_52 : vector<2048x64xf32>
    %get3A_54 = arith.constant 0 : index
    %get3A_55 = arith.constant 0 : index
    %get3A_56 = vector.load %arg9[%get3A_54, %get3A_55] : memref<1x64xf32, #tpu.memory_space<vmem>>, vector<1x64xf32>
    %add3A_57 = vector.broadcast %get3A_56 : vector<1x64xf32> to vector<2048x64xf32>
    %add3A_58 = arith.addf %mul3A_53, %add3A_57 : vector<2048x64xf32>
    %max3A = arith.constant 0.000000e+00 : f32
    %max3A_59 = vector.broadcast %max3A : f32 to vector<2048x64xf32>
    %max3A_60 = arith.maximumf %add3A_58, %max3A_59 : vector<2048x64xf32>
    %get3A_61 = arith.constant 0 : index
    %get3A_62 = arith.constant 0 : index
    %get3A_63 = vector.load %arg10[%get3A_61, %get3A_62] : memref<256x64xf32, #tpu.memory_space<vmem>>, vector<256x64xf32>
    %dot_general3A_64 = arith.constant dense<0.000000e+00> : vector<2048x256xf32>
    %dot_general3A_65 = tpu.matmul %max3A_60, %get3A_63, %dot_general3A_64 {dimension_numbers = #tpu.dot_dimension_numbers<[1], [1], [0], [0], [0, 0, 1, 0], [], []>, transpose_lhs_hint = false} : vector<2048x64xf32>, vector<256x64xf32>, vector<2048x256xf32> -> vector<2048x256xf32>
    %get3A_66 = arith.constant 0 : index
    %get3A_67 = arith.constant 0 : index
    %get3A_68 = vector.load %arg11[%get3A_66, %get3A_67] : memref<1x256xf32, #tpu.memory_space<vmem>>, vector<1x256xf32>
    %add3A_69 = vector.broadcast %get3A_68 : vector<1x256xf32> to vector<2048x256xf32>
    %add3A_70 = arith.addf %dot_general3A_65, %add3A_69 : vector<2048x256xf32>
    %get3A_71 = arith.constant 0 : index
    %get3A_72 = arith.constant 0 : index
    %get3A_73 = arith.constant 0 : index
    %get3A_74 = vector.load %arg2[%get3A_71, %get3A_72, %get3A_73] : memref<1x2048x640xf32, #tpu.memory_space<vmem>>, vector<1x2048x640xf32>
    %get3A_75 = vector.shape_cast %get3A_74 : vector<1x2048x640xf32> to vector<2048x640xf32>
    %slice3A_76 = vector.extract_strided_slice %get3A_75 {offsets = [0, 0], sizes = [2048, 256], strides = [1, 1]} : vector<2048x640xf32> to vector<2048x256xf32>
    %get3A_77 = arith.constant 0 : index
    %get3A_78 = arith.constant 0 : index
    %get3A_79 = arith.constant 0 : index
    %get3A_80 = vector.load %arg2[%get3A_77, %get3A_78, %get3A_79] : memref<1x2048x640xf32, #tpu.memory_space<vmem>>, vector<1x2048x640xf32>
    %get3A_81 = vector.shape_cast %get3A_80 : vector<1x2048x640xf32> to vector<2048x640xf32>
    %slice3A_82 = vector.extract_strided_slice %get3A_81 {offsets = [0, 256], sizes = [2048, 256], strides = [1, 1]} : vector<2048x640xf32> to vector<2048x256xf32>
    %get3A_83 = arith.constant 0 : index
    %get3A_84 = arith.constant 0 : index
    %get3A_85 = arith.constant 0 : index
    %get3A_86 = vector.load %arg4[%get3A_83, %get3A_84, %get3A_85] : memref<1x128x256xf32, #tpu.memory_space<vmem>>, vector<1x128x256xf32>
    %get3A_87 = vector.shape_cast %get3A_86 : vector<1x128x256xf32> to vector<128x256xf32>
    %broadcast_in_dim3A_88 = vector.shape_cast %get3A_87 : vector<128x256xf32> to vector<128x1x256xf32>
    %broadcast_in_dim3A_89 = vector.shape_cast %broadcast_in_dim3A_88 : vector<128x1x256xf32> to vector<128x1x256xf32>
    %broadcast_in_dim3A_90 = vector.broadcast %broadcast_in_dim3A_89 : vector<128x1x256xf32> to vector<128x16x256xf32>
    %reshape3A_91 = vector.shape_cast %broadcast_in_dim3A_90 : vector<128x16x256xf32> to vector<2048x256xf32>
    %sub3A_92 = arith.subf %reshape3A_91, %slice3A_76 : vector<2048x256xf32>
    %add3A_93 = arith.addf %sub3A_92, %add3A_70 : vector<2048x256xf32>
    %get3A_94 = arith.constant 0 : index
    %get3A_95 = arith.constant 0 : index
    %get3A_96 = vector.load %arg12[%get3A_94, %get3A_95] : memref<512x256xf32, #tpu.memory_space<vmem>>, vector<512x256xf32>
    %dot_general3A_97 = arith.constant dense<0.000000e+00> : vector<2048x512xf32>
    %dot_general3A_98 = tpu.matmul %add3A_93, %get3A_96, %dot_general3A_97 {dimension_numbers = #tpu.dot_dimension_numbers<[1], [1], [0], [0], [0, 0, 1, 0], [], []>, transpose_lhs_hint = false} : vector<2048x256xf32>, vector<512x256xf32>, vector<2048x512xf32> -> vector<2048x512xf32>
    %get3A_99 = arith.constant 0 : index
    %get3A_100 = arith.constant 0 : index
    %get3A_101 = vector.load %arg13[%get3A_99, %get3A_100] : memref<1x512xf32, #tpu.memory_space<vmem>>, vector<1x512xf32>
    %add3A_102 = vector.broadcast %get3A_101 : vector<1x512xf32> to vector<2048x512xf32>
    %add3A_103 = arith.addf %dot_general3A_98, %add3A_102 : vector<2048x512xf32>
    %swap3A = arith.constant 0 : index
    %swap3A_104 = arith.constant 0 : index
    %swap3A_105 = arith.constant 0 : index
    %swap3A_106 = vector.load %arg14[%swap3A, %swap3A_104, %swap3A_105] : memref<1x2048x512xf32, #tpu.memory_space<vmem>>, vector<1x2048x512xf32>
    %swap3A_107 = vector.shape_cast %swap3A_106 : vector<1x2048x512xf32> to vector<2048x512xf32>
    %swap3A_108 = vector.shape_cast %add3A_103 : vector<2048x512xf32> to vector<1x2048x512xf32>
    tpu.vector_store %arg14[%swap3A, %swap3A_104, %swap3A_105], %swap3A_108 {strides = array<i32>} : memref<1x2048x512xf32, #tpu.memory_space<vmem>>, vector<1x2048x512xf32>,
    %add3A_109 = arith.addf %slice3A_82, %add3A_70 : vector<2048x256xf32>
    %swap3A_110 = arith.constant 0 : index
    %swap3A_111 = arith.constant 0 : index
    %swap3A_112 = arith.constant 0 : index
    %swap3A_113 = vector.load %arg15[%swap3A_110, %swap3A_111, %swap3A_112] : memref<1x2048x256xf32, #tpu.memory_space<vmem>>, vector<1x2048x256xf32>
    %swap3A_114 = vector.shape_cast %swap3A_113 : vector<1x2048x256xf32> to vector<2048x256xf32>
    %swap3A_115 = vector.shape_cast %add3A_109 : vector<2048x256xf32> to vector<1x2048x256xf32>
    tpu.vector_store %arg15[%swap3A_110, %swap3A_111, %swap3A_112], %swap3A_115 {strides = array<i32>} : memref<1x2048x256xf32, #tpu.memory_space<vmem>>, vector<1x2048x256xf32>,
    %reduce_sum3A_116 = arith.constant dense<0.000000e+00> : vector<512xf32>
    %reduce_sum3A_117 = vector.multi_reduction <add>, %add3A_103, %reduce_sum3A_116 [0] : vector<2048x512xf32> to vector<512xf32>
    %swap3A_118 = arith.constant 0 : index
    %swap3A_119 = arith.constant 0 : index
    %swap3A_120 = arith.constant 0 : index
    %swap3A_121 = vector.load %arg16[%swap3A_118, %swap3A_119, %swap3A_120] : memref<1x2x512xf32, #tpu.memory_space<vmem>>, vector<1x1x512xf32>
    %swap3A_122 = vector.shape_cast %swap3A_121 : vector<1x1x512xf32> to vector<512xf32>
    %swap3A_123 = vector.shape_cast %reduce_sum3A_117 : vector<512xf32> to vector<1x1x512xf32>
    tpu.vector_store %arg16[%swap3A_118, %swap3A_119, %swap3A_120], %swap3A_123 {strides = array<i32>} : memref<1x2x512xf32, #tpu.memory_space<vmem>>, vector<1x1x512xf32>,
    %mul3A_124 = arith.mulf %add3A_103, %add3A_103 : vector<2048x512xf32>
    %reduce_sum3A_125 = arith.constant dense<0.000000e+00> : vector<512xf32>
    %reduce_sum3A_126 = vector.multi_reduction <add>, %mul3A_124, %reduce_sum3A_125 [0] : vector<2048x512xf32> to vector<512xf32>
    %swap3A_127 = arith.constant 0 : index
    %swap3A_128 = arith.constant 1 : index
    %swap3A_129 = arith.constant 0 : index
    %swap3A_130 = vector.load %arg16[%swap3A_127, %swap3A_128, %swap3A_129] : memref<1x2x512xf32, #tpu.memory_space<vmem>>, vector<1x1x512xf32>
    %swap3A_131 = vector.shape_cast %swap3A_130 : vector<1x1x512xf32> to vector<512xf32>
    %swap3A_132 = vector.shape_cast %reduce_sum3A_126 : vector<512xf32> to vector<1x1x512xf32>
    tpu.vector_store %arg16[%swap3A_127, %swap3A_128, %swap3A_129], %swap3A_132 {strides = array<i32>} : memref<1x2x512xf32, #tpu.memory_space<vmem>>, vector<1x1x512xf32>,
    return
  }
  func.func @transform_0(%arg0: i32, %arg1: i32) -> (i32, i32, i32) {
    %c0_i32 = arith.constant 0 : i32
    %c0_i32_0 = arith.constant 0 : i32
    return %arg0, %arg1, %c0_i32 : i32, i32, i32
  }
  func.func @transform_1(%arg0: i32, %arg1: i32) -> (i32, i32, i32) {
    %c0_i32 = arith.constant 0 : i32
    %c0_i32_0 = arith.constant 0 : i32
    return %arg0, %arg1, %c0_i32 : i32, i32, i32
  }
  func.func @transform_2(%arg0: i32, %arg1: i32) -> (i32, i32, i32) {
    %c0_i32 = arith.constant 0 : i32
    %c0_i32_0 = arith.constant 0 : i32
    return %arg0, %arg1, %c0_i32 : i32, i32, i32
  }
  func.func @transform_3(%arg0: i32, %arg1: i32) -> (i32, i32, i32) {
    %c0_i32 = arith.constant 0 : i32
    %c0_i32_0 = arith.constant 0 : i32
    %c0_i32_1 = arith.constant 0 : i32
    %c0_i32_2 = arith.constant 0 : i32
    return %c0_i32, %c0_i32_0, %c0_i32_1 : i32, i32, i32
  }
  func.func @transform_4(%arg0: i32, %arg1: i32) -> (i32, i32) {
    %c0_i32 = arith.constant 0 : i32
    %c0_i32_0 = arith.constant 0 : i32
    %c0_i32_1 = arith.constant 0 : i32
    return %c0_i32, %c0_i32_0 : i32, i32
  }
  func.func @transform_5(%arg0: i32, %arg1: i32) -> (i32, i32) {
    %c0_i32 = arith.constant 0 : i32
    %c0_i32_0 = arith.constant 0 : i32
    %c0_i32_1 = arith.constant 0 : i32
    return %c0_i32, %c0_i32_0 : i32, i32
  }
  func.func @transform_6(%arg0: i32, %arg1: i32) -> (i32, i32) {
    %c0_i32 = arith.constant 0 : i32
    %c0_i32_0 = arith.constant 0 : i32
    %c0_i32_1 = arith.constant 0 : i32
    return %c0_i32, %c0_i32_0 : i32, i32
  }
  func.func @transform_7(%arg0: i32, %arg1: i32) -> (i32, i32) {
    %c0_i32 = arith.constant 0 : i32
    %c0_i32_0 = arith.constant 0 : i32
    %c0_i32_1 = arith.constant 0 : i32
    return %c0_i32, %c0_i32_0 : i32, i32
  }
  func.func @transform_8(%arg0: i32, %arg1: i32) -> (i32, i32) {
    %c0_i32 = arith.constant 0 : i32
    %c0_i32_0 = arith.constant 0 : i32
    %c0_i32_1 = arith.constant 0 : i32
    return %c0_i32, %c0_i32_0 : i32, i32
  }
  func.func @transform_9(%arg0: i32, %arg1: i32) -> (i32, i32) {
    %c0_i32 = arith.constant 0 : i32
    %c0_i32_0 = arith.constant 0 : i32
    %c0_i32_1 = arith.constant 0 : i32
    return %c0_i32, %c0_i32_0 : i32, i32
  }
  func.func @transform_10(%arg0: i32, %arg1: i32) -> (i32, i32) {
    %c0_i32 = arith.constant 0 : i32
    %c0_i32_0 = arith.constant 0 : i32
    %c0_i32_1 = arith.constant 0 : i32
    return %c0_i32, %c0_i32_0 : i32, i32
  }
  func.func @transform_11(%arg0: i32, %arg1: i32) -> (i32, i32) {
    %c0_i32 = arith.constant 0 : i32
    %c0_i32_0 = arith.constant 0 : i32
    %c0_i32_1 = arith.constant 0 : i32
    return %c0_i32, %c0_i32_0 : i32, i32
  }
  func.func @transform_12(%arg0: i32, %arg1: i32) -> (i32, i32, i32) {
    %c0_i32 = arith.constant 0 : i32
    %c0_i32_0 = arith.constant 0 : i32
    return %arg0, %arg1, %c0_i32 : i32, i32, i32
  }
  func.func @transform_13(%arg0: i32, %arg1: i32) -> (i32, i32, i32) {
    %c0_i32 = arith.constant 0 : i32
    %c0_i32_0 = arith.constant 0 : i32
    return %arg0, %arg1, %c0_i32 : i32, i32, i32
  }
  func.func @transform_14(%arg0: i32, %arg1: i32) -> (i32, i32, i32) {
    %mul3A = arith.constant 16 : i32
    %mul3A_0 = arith.muli %arg0, %mul3A : i32
    %add3A = arith.addi %mul3A_0, %arg1 : i32
    %c0_i32 = arith.constant 0 : i32
    %c0_i32_1 = arith.constant 0 : i32
    %c0_i32_2 = arith.constant 0 : i32
    return %add3A, %c0_i32, %c0_i32_1 : i32, i32, i32
  }
}

module attributes {stable_mosaic.version = 14 : i64} {
  func.func @_pass3_body(%arg0: i32, %arg1: i32, %arg2: memref<1x2048x512xf32, #tpu.memory_space<vmem>>, %arg3: memref<1x2048x256xf32, #tpu.memory_space<vmem>>, %arg4: memref<1x128x256xf32, #tpu.memory_space<vmem>>, %arg5: memref<32x2x512xf32, #tpu.memory_space<vmem>>, %arg6: memref<1x512xf32, #tpu.memory_space<vmem>>, %arg7: memref<1x512xf32, #tpu.memory_space<vmem>>, %arg8: memref<256x512xf32, #tpu.memory_space<vmem>>, %arg9: memref<1x256xf32, #tpu.memory_space<vmem>>, %arg10: memref<256x256xf32, #tpu.memory_space<vmem>>, %arg11: memref<1x256xf32, #tpu.memory_space<vmem>>, %arg12: memref<1x128x256xf32, #tpu.memory_space<vmem>>) attributes {dimension_semantics = [#tpu.dimension_semantics<arbitrary>, #tpu.dimension_semantics<arbitrary>], iteration_bounds = array<i64: 2, 16>, scalar_prefetch = 0 : i64, scratch_operands = 0 : i64, tpu.core_type = #tpu.core_type<tc>, window_params = [{transform_indices = @transform_0, window_bounds = array<i64: 1, 2048, 512>}, {transform_indices = @transform_1, window_bounds = array<i64: 1, 2048, 256>}, {transform_indices = @transform_2, window_bounds = array<i64: 1, 128, 256>}, {pipeline_mode = #tpu.pipeline_mode<synchronous>, transform_indices = @transform_3, window_bounds = array<i64: 32, 2, 512>}, {pipeline_mode = #tpu.pipeline_mode<synchronous>, transform_indices = @transform_4, window_bounds = array<i64: 1, 512>}, {pipeline_mode = #tpu.pipeline_mode<synchronous>, transform_indices = @transform_5, window_bounds = array<i64: 1, 512>}, {pipeline_mode = #tpu.pipeline_mode<synchronous>, transform_indices = @transform_6, window_bounds = array<i64: 256, 512>}, {pipeline_mode = #tpu.pipeline_mode<synchronous>, transform_indices = @transform_7, window_bounds = array<i64: 1, 256>}, {pipeline_mode = #tpu.pipeline_mode<synchronous>, transform_indices = @transform_8, window_bounds = array<i64: 256, 256>}, {pipeline_mode = #tpu.pipeline_mode<synchronous>, transform_indices = @transform_9, window_bounds = array<i64: 1, 256>}, {transform_indices = @transform_10, window_bounds = array<i64: 1, 128, 256>}]} {
    %get3A = arith.constant 0 : index
    %get3A_0 = arith.constant 0 : index
    %get3A_1 = arith.constant 0 : index
    %get3A_2 = vector.load %arg2[%get3A, %get3A_0, %get3A_1] : memref<1x2048x512xf32, #tpu.memory_space<vmem>>, vector<1x2048x512xf32>
    %get3A_3 = vector.shape_cast %get3A_2 : vector<1x2048x512xf32> to vector<2048x512xf32>
    %get3A_4 = arith.constant 0 : index
    %get3A_5 = arith.constant 0 : index
    %get3A_6 = arith.constant 0 : index
    %get3A_7 = vector.load %arg5[%get3A_4, %get3A_5, %get3A_6] : memref<32x2x512xf32, #tpu.memory_space<vmem>>, vector<32x2x512xf32>
    %slice3A = vector.extract_strided_slice %get3A_7 {offsets = [0, 0, 0], sizes = [32, 1, 512], strides = [1, 1, 1]} : vector<32x2x512xf32> to vector<32x1x512xf32>
    %squeeze3A = vector.shape_cast %slice3A : vector<32x1x512xf32> to vector<32x512xf32>
    %reduce_sum3A = arith.constant dense<0.000000e+00> : vector<512xf32>
    %reduce_sum3A_8 = vector.multi_reduction <add>, %squeeze3A, %reduce_sum3A [0] : vector<32x512xf32> to vector<512xf32>
    %div3A = arith.constant 6.553600e+04 : f32
    %div3A_9 = vector.broadcast %div3A : f32 to vector<512xf32>
    %div3A_10 = arith.divf %reduce_sum3A_8, %div3A_9 : vector<512xf32>
    %broadcast_in_dim3A = vector.shape_cast %div3A_10 : vector<512xf32> to vector<1x512xf32>
    %slice3A_11 = vector.extract_strided_slice %get3A_7 {offsets = [0, 1, 0], sizes = [32, 1, 512], strides = [1, 1, 1]} : vector<32x2x512xf32> to vector<32x1x512xf32>
    %squeeze3A_12 = vector.shape_cast %slice3A_11 : vector<32x1x512xf32> to vector<32x512xf32>
    %reduce_sum3A_13 = arith.constant dense<0.000000e+00> : vector<512xf32>
    %reduce_sum3A_14 = vector.multi_reduction <add>, %squeeze3A_12, %reduce_sum3A_13 [0] : vector<32x512xf32> to vector<512xf32>
    %div3A_15 = arith.constant 6.553600e+04 : f32
    %div3A_16 = vector.broadcast %div3A_15 : f32 to vector<512xf32>
    %div3A_17 = arith.divf %reduce_sum3A_14, %div3A_16 : vector<512xf32>
    %broadcast_in_dim3A_18 = vector.shape_cast %div3A_17 : vector<512xf32> to vector<1x512xf32>
    %mul3A = arith.mulf %broadcast_in_dim3A, %broadcast_in_dim3A : vector<1x512xf32>
    %sub3A = arith.subf %broadcast_in_dim3A_18, %mul3A : vector<1x512xf32>
    %sub3A_19 = vector.broadcast %broadcast_in_dim3A : vector<1x512xf32> to vector<2048x512xf32>
    %sub3A_20 = arith.subf %get3A_3, %sub3A_19 : vector<2048x512xf32>
    %add3A = arith.constant 9.99999974E-6 : f32
    %add3A_21 = vector.broadcast %add3A : f32 to vector<1x512xf32>
    %add3A_22 = arith.addf %sub3A, %add3A_21 : vector<1x512xf32>
    %sqrt3A = math.sqrt %add3A_22 : vector<1x512xf32>
    %div3A_23 = vector.broadcast %sqrt3A : vector<1x512xf32> to vector<2048x512xf32>
    %div3A_24 = arith.divf %sub3A_20, %div3A_23 : vector<2048x512xf32>
    %get3A_25 = arith.constant 0 : index
    %get3A_26 = arith.constant 0 : index
    %get3A_27 = vector.load %arg6[%get3A_25, %get3A_26] : memref<1x512xf32, #tpu.memory_space<vmem>>, vector<1x512xf32>
    %mul3A_28 = vector.broadcast %get3A_27 : vector<1x512xf32> to vector<2048x512xf32>
    %mul3A_29 = arith.mulf %div3A_24, %mul3A_28 : vector<2048x512xf32>
    %get3A_30 = arith.constant 0 : index
    %get3A_31 = arith.constant 0 : index
    %get3A_32 = vector.load %arg7[%get3A_30, %get3A_31] : memref<1x512xf32, #tpu.memory_space<vmem>>, vector<1x512xf32>
    %add3A_33 = vector.broadcast %get3A_32 : vector<1x512xf32> to vector<2048x512xf32>
    %add3A_34 = arith.addf %mul3A_29, %add3A_33 : vector<2048x512xf32>
    %max3A = arith.constant 0.000000e+00 : f32
    %max3A_35 = vector.broadcast %max3A : f32 to vector<2048x512xf32>
    %max3A_36 = arith.maximumf %add3A_34, %max3A_35 : vector<2048x512xf32>
    %get3A_37 = arith.constant 0 : index
    %get3A_38 = arith.constant 0 : index
    %get3A_39 = vector.load %arg8[%get3A_37, %get3A_38] : memref<256x512xf32, #tpu.memory_space<vmem>>, vector<256x512xf32>
    %dot_general3A = arith.constant dense<0.000000e+00> : vector<2048x256xf32>
    %dot_general3A_40 = tpu.matmul %max3A_36, %get3A_39, %dot_general3A {dimension_numbers = #tpu.dot_dimension_numbers<[1], [1], [0], [0], [0, 0, 1, 0], [], []>, transpose_lhs_hint = false} : vector<2048x512xf32>, vector<256x512xf32>, vector<2048x256xf32> -> vector<2048x256xf32>
    %get3A_41 = arith.constant 0 : index
    %get3A_42 = arith.constant 0 : index
    %get3A_43 = vector.load %arg9[%get3A_41, %get3A_42] : memref<1x256xf32, #tpu.memory_space<vmem>>, vector<1x256xf32>
    %add3A_44 = vector.broadcast %get3A_43 : vector<1x256xf32> to vector<2048x256xf32>
    %add3A_45 = arith.addf %dot_general3A_40, %add3A_44 : vector<2048x256xf32>
    %reshape3A = vector.shape_cast %add3A_45 : vector<2048x256xf32> to vector<128x16x256xf32>
    %reduce_max3A = arith.constant dense<0xFF800000> : vector<128x256xf32>
    %reduce_max3A_46 = vector.multi_reduction <maximumf>, %reshape3A, %reduce_max3A [1] : vector<128x16x256xf32> to vector<128x256xf32>
    %broadcast_in_dim3A_47 = vector.shape_cast %reduce_max3A_46 : vector<128x256xf32> to vector<128x1x256xf32>
    %sub3A_48 = vector.broadcast %broadcast_in_dim3A_47 : vector<128x1x256xf32> to vector<128x16x256xf32>
    %sub3A_49 = arith.subf %reshape3A, %sub3A_48 : vector<128x16x256xf32>
    %exp3A = math.exp %sub3A_49 : vector<128x16x256xf32>
    %reduce_sum3A_50 = arith.constant dense<0.000000e+00> : vector<128x256xf32>
    %reduce_sum3A_51 = vector.multi_reduction <add>, %exp3A, %reduce_sum3A_50 [1] : vector<128x16x256xf32> to vector<128x256xf32>
    %broadcast_in_dim3A_52 = vector.shape_cast %reduce_sum3A_51 : vector<128x256xf32> to vector<128x1x256xf32>
    %div3A_53 = vector.broadcast %broadcast_in_dim3A_52 : vector<128x1x256xf32> to vector<128x16x256xf32>
    %div3A_54 = arith.divf %exp3A, %div3A_53 : vector<128x16x256xf32>
    %get3A_55 = arith.constant 0 : index
    %get3A_56 = arith.constant 0 : index
    %get3A_57 = arith.constant 0 : index
    %get3A_58 = vector.load %arg3[%get3A_55, %get3A_56, %get3A_57] : memref<1x2048x256xf32, #tpu.memory_space<vmem>>, vector<1x2048x256xf32>
    %get3A_59 = vector.shape_cast %get3A_58 : vector<1x2048x256xf32> to vector<2048x256xf32>
    %reshape3A_60 = vector.shape_cast %get3A_59 : vector<2048x256xf32> to vector<128x16x256xf32>
    %mul3A_61 = arith.mulf %div3A_54, %reshape3A_60 : vector<128x16x256xf32>
    %reduce_sum3A_62 = arith.constant dense<0.000000e+00> : vector<128x256xf32>
    %reduce_sum3A_63 = vector.multi_reduction <add>, %mul3A_61, %reduce_sum3A_62 [1] : vector<128x16x256xf32> to vector<128x256xf32>
    %get3A_64 = arith.constant 0 : index
    %get3A_65 = arith.constant 0 : index
    %get3A_66 = vector.load %arg10[%get3A_64, %get3A_65] : memref<256x256xf32, #tpu.memory_space<vmem>>, vector<256x256xf32>
    %dot_general3A_67 = arith.constant dense<0.000000e+00> : vector<128x256xf32>
    %dot_general3A_68 = tpu.matmul %reduce_sum3A_63, %get3A_66, %dot_general3A_67 {dimension_numbers = #tpu.dot_dimension_numbers<[1], [1], [0], [0], [0, 0, 1, 0], [], []>, transpose_lhs_hint = false} : vector<128x256xf32>, vector<256x256xf32>, vector<128x256xf32> -> vector<128x256xf32>
    %get3A_69 = arith.constant 0 : index
    %get3A_70 = arith.constant 0 : index
    %get3A_71 = vector.load %arg11[%get3A_69, %get3A_70] : memref<1x256xf32, #tpu.memory_space<vmem>>, vector<1x256xf32>
    %add3A_72 = vector.broadcast %get3A_71 : vector<1x256xf32> to vector<128x256xf32>
    %add3A_73 = arith.addf %dot_general3A_68, %add3A_72 : vector<128x256xf32>
    %get3A_74 = arith.constant 0 : index
    %get3A_75 = arith.constant 0 : index
    %get3A_76 = arith.constant 0 : index
    %get3A_77 = vector.load %arg4[%get3A_74, %get3A_75, %get3A_76] : memref<1x128x256xf32, #tpu.memory_space<vmem>>, vector<1x128x256xf32>
    %get3A_78 = vector.shape_cast %get3A_77 : vector<1x128x256xf32> to vector<128x256xf32>
    %add3A_79 = arith.addf %add3A_73, %get3A_78 : vector<128x256xf32>
    %swap3A = arith.constant 0 : index
    %swap3A_80 = arith.constant 0 : index
    %swap3A_81 = arith.constant 0 : index
    %swap3A_82 = vector.load %arg12[%swap3A, %swap3A_80, %swap3A_81] : memref<1x128x256xf32, #tpu.memory_space<vmem>>, vector<1x128x256xf32>
    %swap3A_83 = vector.shape_cast %swap3A_82 : vector<1x128x256xf32> to vector<128x256xf32>
    %swap3A_84 = vector.shape_cast %add3A_79 : vector<128x256xf32> to vector<1x128x256xf32>
    tpu.vector_store %arg12[%swap3A, %swap3A_80, %swap3A_81], %swap3A_84 {strides = array<i32>} : memref<1x128x256xf32, #tpu.memory_space<vmem>>, vector<1x128x256xf32>,
    return
  }
  func.func @transform_0(%arg0: i32, %arg1: i32) -> (i32, i32, i32) {
    %c0_i32 = arith.constant 0 : i32
    %c0_i32_0 = arith.constant 0 : i32
    return %arg0, %arg1, %c0_i32 : i32, i32, i32
  }
  func.func @transform_1(%arg0: i32, %arg1: i32) -> (i32, i32, i32) {
    %c0_i32 = arith.constant 0 : i32
    %c0_i32_0 = arith.constant 0 : i32
    return %arg0, %arg1, %c0_i32 : i32, i32, i32
  }
  func.func @transform_2(%arg0: i32, %arg1: i32) -> (i32, i32, i32) {
    %c0_i32 = arith.constant 0 : i32
    %c0_i32_0 = arith.constant 0 : i32
    return %arg0, %arg1, %c0_i32 : i32, i32, i32
  }
  func.func @transform_3(%arg0: i32, %arg1: i32) -> (i32, i32, i32) {
    %c0_i32 = arith.constant 0 : i32
    %c0_i32_0 = arith.constant 0 : i32
    %c0_i32_1 = arith.constant 0 : i32
    %c0_i32_2 = arith.constant 0 : i32
    return %c0_i32, %c0_i32_0, %c0_i32_1 : i32, i32, i32
  }
  func.func @transform_4(%arg0: i32, %arg1: i32) -> (i32, i32) {
    %c0_i32 = arith.constant 0 : i32
    %c0_i32_0 = arith.constant 0 : i32
    %c0_i32_1 = arith.constant 0 : i32
    return %c0_i32, %c0_i32_0 : i32, i32
  }
  func.func @transform_5(%arg0: i32, %arg1: i32) -> (i32, i32) {
    %c0_i32 = arith.constant 0 : i32
    %c0_i32_0 = arith.constant 0 : i32
    %c0_i32_1 = arith.constant 0 : i32
    return %c0_i32, %c0_i32_0 : i32, i32
  }
  func.func @transform_6(%arg0: i32, %arg1: i32) -> (i32, i32) {
    %c0_i32 = arith.constant 0 : i32
    %c0_i32_0 = arith.constant 0 : i32
    %c0_i32_1 = arith.constant 0 : i32
    return %c0_i32, %c0_i32_0 : i32, i32
  }
  func.func @transform_7(%arg0: i32, %arg1: i32) -> (i32, i32) {
    %c0_i32 = arith.constant 0 : i32
    %c0_i32_0 = arith.constant 0 : i32
    %c0_i32_1 = arith.constant 0 : i32
    return %c0_i32, %c0_i32_0 : i32, i32
  }
  func.func @transform_8(%arg0: i32, %arg1: i32) -> (i32, i32) {
    %c0_i32 = arith.constant 0 : i32
    %c0_i32_0 = arith.constant 0 : i32
    %c0_i32_1 = arith.constant 0 : i32
    return %c0_i32, %c0_i32_0 : i32, i32
  }
  func.func @transform_9(%arg0: i32, %arg1: i32) -> (i32, i32) {
    %c0_i32 = arith.constant 0 : i32
    %c0_i32_0 = arith.constant 0 : i32
    %c0_i32_1 = arith.constant 0 : i32
    return %c0_i32, %c0_i32_0 : i32, i32
  }
  func.func @transform_10(%arg0: i32, %arg1: i32) -> (i32, i32, i32) {
    %c0_i32 = arith.constant 0 : i32
    %c0_i32_0 = arith.constant 0 : i32
    return %arg0, %arg1, %c0_i32 : i32, i32, i32
  }
}

</mosaic_0001>

<sc_bundles>
// kernel: kernel.8.cloned.1.call-start
scs
__scs_entry_jumppad:
0x0: {  	(pc) =	sbr.rel $0x88, $3  }
0x1: {  	(tag) =	ssettag $0x0;
	lr =	simm.s32 $0x1  }
0x2: {  	[smem:$0x3F87] =	sst lr;
	_ =	strace $0xD0000000  }
0x3: {  	_ = 	snop  }
0x4: {  	_ = 	snop  }
0x5: {  	_ = 	snop  }
0x6: {  	_ = 	snop  }
0x7: {  	_ = 	snop  }
__scs_overlays_trampoline_lowered:
0x8: {  	[smem:$0x3F96] =	sst s0  }
0x9: {  	[smem:$0x3F97] =	sst s1  }
0xa: {  	[smem:$0x3F98] =	sst s2  }
0xb: {  	[smem:$0x3F99] =	sst s3  }
0xc: {  	[smem:$0x3F9A] =	sst s4  }
0xd: {  	[smem:$0x3F9B] =	sst s5  }
0xe: {  	[smem:$0x3F9C] =	sst s6  }
0xf: {  	[smem:$0x3F9D] =	sst s7  }
0x10: {  	[smem:$0x3F9E] =	sst s8  }
0x11: {  	[smem:$0x3F9F] =	sst s9;
	s0 =	simm.s32 @!p0 $0x0  }
0x12: {  	s1 =	sld [smem:$0x3F85];
	s0 =	simm.s32 @p0 $0x1  }
0x13: {  	[smem:$0x3FA0] =	sst s0;
	s0 =	simm.s32 @!p1 $0x0  }
0x14: {  	s2 =	sld [smem:$0x3F84];
	s0 =	simm.s32 @p1 $0x1  }
0x15: {  	[smem:$0x3FA1] =	sst s0;
	s0 =	simm.s32 @!p2 $0x0  }
0x16: {  	s3 =	sld [smem:$0x3FDB];
	s0 =	simm.s32 @p2 $0x1  }
0x17: {  	s4 =	simm.s32 $0x1BF5;
	[smem:$0x3FA3] =	sst s0  }
0x18: {  	s0 =	sld [smem:$0x3F86];
	_ =	swait.ge [sflag:s4], $0x0  }
0x19: {  	s7 =	sld [smem:$0x3F87]  }
0x1a: {  	s8 =	sadd.s32 $0xFFFFE003, lr  }
0x1b: {  	s9 =	sadd.s32 $0xFFFFFEF7, lr;
	s5 =	simm.s32 $0xFFFFFFFF;
	p2 =	slt.u32 s8, $0xFFFFF086  }
0x1c: {  	p1 =	slt.u32 s9, $0xF7A;
	s5 =	simm.s32 @!p2 $0x0  }
0x1d: {  	s5 =	simm.s32 @p1 $0x1;
	p0 =	seq.s32 s7, s2  }
0x1e: {  	s7 =	smul.u32 @!p0 $0xF7A, s2;
	p2 =	seq.s32 @!p0 s5, $0x0  }
0x1f: {  	s9 =	smul.u32 $0xF7A, s1;
	s8 =	simm.s32 @!p0 $0x1BF5;
	p2 =	por !p2, p0  }
0x20: {  	[sflag:s8] =	ssyncset.s32 @!p0 $0xFFFFF086;
	s6 =	sadd.s32 @!p0 s3, s7;
	s7 =	simm.s32 @!p0 $0x108  }
0x21: {  	s3 =	sadd.s32 s3, s9;
	s6 =	sadd.s32 @!p0 $0x88, s6;
	s7 =	simm.s32 @p2 $0x1082  }
0x22: {  	[simem:s7], [sflag:s8] =	dma.local @!p0 [hbm:s6], $0xF7A  }
0x23: {  	s9 =	sor.u32 $0xD0000000, s2;
	s6 =	simm.s32 $0x108;
	_ =	swait.ge @!p0 [sflag:s8], $0x0  }
0x24: {  	s3 =	sadd.s32 $0x88, s3;
	s6 =	simm.s32 @!p1 $0x1082;
	[sflag:s4] =	ssyncset.s32 $0xFFFFF086  }
0x25: {  	[simem:s6], [sflag:s4] =	dma.local [hbm:s3], $0xF7A  }
0x26: {  	[smem:$0x3F87] =	sst s1;
	(tag) =	ssettag s2;
	_ =	strace s9  }
0x27: {  	s1 =	sld [smem:$0x3F97]  }
0x28: {  	s2 =	sld [smem:$0x3F98]  }
0x29: {  	s4 =	sld [smem:$0x3F9A]  }
0x2a: {  	p0 =	seq.s32 s5, $0x0;
	s5 =	sld [smem:$0x3F9B]  }
0x2b: {  	s6 =	sld [smem:$0x3F9C]  }
0x2c: {  	s7 =	sld [smem:$0x3F9D]  }
0x2d: {  	s3 =	simm.s32 $0x108;
	s8 =	sld [smem:$0x3F9E]  }
0x2e: {  	s3 =	simm.s32 @!p0 $0x1082;
	s9 =	sld [smem:$0x3F9F]  }
0x2f: {  	lr =	sadd.s32 s0, s3;
	s0 =	sld [smem:$0x3F96]  }
0x30: {  	s3 =	sld [smem:$0x3F99]  }
0x31: {  	[smem:$0x3FA2] =	sst s10  }
0x32: {  	s10 =	sld [smem:$0x3FA0];
	_ =	sdelay $0x3  }
0x33: {  	p0 =	seq.s32 s10, $0x1;
	s10 =	sld [smem:$0x3FA2];
	_ =	sdelay $0x3  }
0x34: {  	[smem:$0x3FA2] =	sst s10  }
0x35: {  	s10 =	sld [smem:$0x3FA1];
	_ =	sdelay $0x3  }
0x36: {  	p1 =	seq.s32 s10, $0x1;
	s10 =	sld [smem:$0x3FA2];
	_ =	sdelay $0x3  }
0x37: {  	[smem:$0x3FA2] =	sst s10  }
0x38: {  	s10 =	sld [smem:$0x3FA3]  }
0x39: {  	_ = 	snop;
	(pc) =	sbr.ind lr, $3  }
0x3a: {  	_ = 	snop  }
0x3b: {  	_ = 	snop  }
0x3c: {  	p2 =	seq.s32 s10, $0x1;
	s10 =	sld [smem:$0x3FA2]  }
0x3d: {  	_ =	shalt  }
0x3e: {  	_ =	shalt  }
0x3f: {  	_ =	shalt  }
0x40: {  	_ =	shalt  }
0x41: {  	_ =	shalt  }
0x42: {  	_ =	shalt  }
0x43: {  	_ =	shalt  }
0x44: {  	_ =	shalt  }
0x45: {  	_ =	shalt  }
0x46: {  	_ =	shalt  }
0x47: {  	_ =	shalt  }
0x48: {  	_ =	shalt  }
0x49: {  	_ =	shalt  }
0x4a: {  	_ =	shalt  }
0x4b: {  	_ =	shalt  }
0x4c: {  	_ =	shalt  }
0x4d: {  	_ =	shalt  }
0x4e: {  	_ =	shalt  }
0x4f: {  	_ =	shalt  }
0x50: {  	_ =	shalt  }
0x51: {  	_ =	shalt  }
0x52: {  	_ =	shalt  }
0x53: {  	_ =	shalt  }
0x54: {  	_ =	shalt  }
0x55: {  	_ =	shalt  }
0x56: {  	_ =	shalt  }
0x57: {  	_ =	shalt  }
0x58: {  	_ =	shalt  }
0x59: {  	_ =	shalt  }
0x5a: {  	_ =	shalt  }
0x5b: {  	_ =	shalt  }
0x5c: {  	_ =	shalt  }
0x5d: {  	_ =	shalt  }
0x5e: {  	_ =	shalt  }
0x5f: {  	_ =	shalt  }
0x60: {  	_ =	shalt  }
0x61: {  	_ =	shalt  }
0x62: {  	_ =	shalt  }
0x63: {  	_ =	shalt  }
0x64: {  	_ =	shalt  }
0x65: {  	_ =	shalt  }
0x66: {  	_ =	shalt  }
0x67: {  	_ =	shalt  }
0x68: {  	_ =	shalt  }
0x69: {  	_ =	shalt  }
0x6a: {  	_ =	shalt  }
0x6b: {  	_ =	shalt  }
0x6c: {  	_ =	shalt  }
0x6d: {  	_ =	shalt  }
0x6e: {  	_ =	shalt  }
0x6f: {  	_ =	shalt  }
0x70: {  	_ =	shalt  }
0x71: {  	_ =	shalt  }
0x72: {  	_ =	shalt  }
0x73: {  	_ =	shalt  }
0x74: {  	_ =	shalt  }
0x75: {  	_ =	shalt  }
0x76: {  	_ =	shalt  }
0x77: {  	_ =	shalt  }
0x78: {  	_ =	shalt  }
0x79: {  	_ =	shalt  }
0x7a: {  	_ =	shalt  }
0x7b: {  	_ =	shalt  }
0x7c: {  	_ =	shalt  }
0x7d: {  	_ =	shalt  }
0x7e: {  	_ =	shalt  }
0x7f: {  	_ =	shalt  }
0x80: {  	_ =	shalt  }
0x81: {  	_ =	shalt  }
0x82: {  	_ =	shalt  }
0x83: {  	_ =	shalt  }
0x84: {  	_ =	shalt  }
0x85: {  	_ =	shalt  }
0x86: {  	_ =	shalt  }
0x87: {  	_ =	shalt  }
.Lfunc_end0:
.L_simem_size_0:
called_computation_lowered:
.L_overlay_start_0:
0x88: {  	s2 =	sld [smem:$0x3FD9]  }
0x89: {  	s3 =	sld [smem:$0x3FFE];
	_ =	sdelay $0x1  }
0x8a: {  	s1 =	srdreg.scid  }
0x8b: {  	s0 =	sand.u32 $0x1, s1  }
0x8c: {  	s16 =	sshll.u32 s0, $0xA;
	s2 =	sadd.s32 s3, s2  }
0x8d: {  	s2 =	sadd.s32 s2, s16  }
0x8e: {  	[smem:$0x3FAE] =	sst s2  }
0x8f: {  	_ = 	snop  }
0x90: {  	(tm) =	ssettm $0x1  }
0x91: {  	s17 =	sld [smem:$0x3FFB];
	_ =	sdelay $0x3  }
0x92: {  	_ =	strace s17  }
0x93: {  	s2 =	sld [smem:$0x3FFC];
	_ =	sdelay $0x3  }
0x94: {  	_ =	strace s2  }
0x95: {  	s2 =	sld [smem:$0x3FFD];
	_ =	sdelay $0x3  }
0x96: {  	_ =	strace s2  }
0x97: {  	_ =	strace $0x8FFFFFFF  }
0x98: {  	s18 =	sld [smem:$0x3FDB];
	_ =	sdelay $0x1  }
0x99: {  	s19 =	simm.s32 $_scs_section_size  }
0x9a: {  	s4 =	simm.s32 $_size__tile_overlayer_lowered;
	s5 =	simm.s32 $_tile_overlayer_lowered  }
0x9b: {  	s22 =	simm.s32 $0x1BFF;
	s21 =	sshll.u32 s5, $0x1;
	s2 =	sadd.s32 s19, s18  }
0x9c: {  	s6 =	simm.s32 $0x0;
	s20 =	sshll.u32 s4, $0x1;
	s4 =	sadd.s32 s21, s2  }
0x9d: {  	[timem:s6], [sflag:s22] =	dma.local [hbm:s4], s20  }
0x9e: {  	_ =	swait.ge [sflag:s22], s20  }
0x9f: {  	s3 =	ssub.s32 $0x0, s20;
	[sflag:s22] =	ssyncset.done $0x0  }
0xa0: {  	[sflag:s22] =	ssyncadd.s32 s3;
	_ =	sdelay $0x1  }
0xa1: {  	s23 =	simm.s32 $0x1B8B  }
0xa2: {  	_ =	swait.ge [sflag:s23], $0x1  }
0xa3: {  	[sflag:s23] =	ssyncset.done $0x0  }
0xa4: {  	s25 =	simm.s32 $0x1B8E;
	s24 =	sld [smem:$0x3FFE];
	[sflag:s23] =	ssyncadd.s32 $0xFFFFFFFF  }
0xa5: {  	s26 =	simm.s32 $execute0_lowered;
	[smem:$0x3FD2] =	sst s25  }
0xa6: {  	s4 =	sshll.u32 s26, $0x1;
	_ =	strace $0x80000046;
	[dreg:$0x1] =	wrdreg $0xFFFFFFFF  }
0xa7: {  	s28 =	simm.s32 $_size_execute0_lowered;
	s2 =	sadd.s32 s2, s4;
	[dreg:$0x0] =	wrdreg $0x0  }
0xa8: {  	s4 =	sshll.u32 s28, $0x1;
	[dreg:$0x2] =	wrdreg s2  }
0xa9: {  	[dreg:$0x3] =	wrdreg s4  }
0xaa: {  	[dreg:$0x4] =	wrdreg $0xC0  }
0xab: {  	_ =	task [dreg:s6], $0x5FFFF  }
0xac: {  	[dreg:$0x1] =	wrdreg $0xFFFFFFFF  }
0xad: {  	[dreg:$0x0] =	wrdreg $0x60  }
0xae: {  	[dreg:$0x2] =	wrdreg s24  }
0xaf: {  	[dreg:$0x3] =	wrdreg $0x9  }
0xb0: {  	_ =	task.clear_ibuf [dreg:s6], $0x4FFFF;
	_ =	strace $0x90000046  }
0xb1: {  	s29 =	simm.s32 $0x9;
	_ =	strace $0x80000048  }
0xb2: {  	_ =	swait.ge [sflag:s29], $0x1  }
0xb3: {  	[sflag:s29] =	ssyncadd.s32 $0xFFFFFFFF  }
0xb4: {  	_ =	strace $0x90000048  }
0xb5: {  	_ =	sfence  }
0xb6: {  	s30 =	sld [smem:$0x0];
	_ =	sdelay $0x2  }
0xb7: {  	s31 =	sshll.u32 s1, $0xD;
	s1 =	sshrl.u32 s1, $0x2  }
0xb8: {  	s3 =	sand.u32 $0x4000, s31;
	s1 =	sadd.s32 s1, s30  }
0xb9: {  	s0 =	sor.u32 s3, s0;
	s1 =	sshll.u32 s1, $0x11  }
0xba: {  	s0 =	sor.u32 s1, s0  }
0xbb: {  	s0 =	sadd.s32 $0x8F2B, s0  }
0xbc: {  	[sflag:s0] =	ssyncadd.remote.s32 $0x1  }
0xbd: {  	_ =	sfence.sel $0xFFFF  }
0xbe: {  	[dreg:$0x0] =	wrdreg $0xFFFFFFFF;
	(pc) =	sbr.abs _section_cstart, $3  }
0xbf: {  	[dreg:$0x1] =	wrdreg $0xFFFFFFFF  }
0xc0: {  	_ =	task.clear_ibuf [dreg:s6], $0x2FFFF;
	_ =	strace $0x9FFFFFFF  }
0xc1: {  	(tm) =	ssettm $0x7FFFFFFF  }
tec
execute0_lowered:
.L_overlay_start_1:
0x0: {  	(tag) =	ssettag $0x1  }
0x1: {  	s0 =	srdreg.scid  }
0x2: {  	s1 =	stileid.u32;
	s6 =	rddreg [dreg:$0x0]  }
0x3: {  	s23 =	simm.s32 $0x1000;
	s24 =	simm.s32 $0x1800;
	s25 =	simm.s32 $0x1C00  }
0x4: {  	s26 =	simm.s32 $0x2400;
	s8 =	simm.s32 $0x2;
	s9 =	simm.s32 $0x800  }
0x5: {  	s10 =	simm.s32 $0x2C00;
	s11 =	simm.s32 $0x3000;
	s12 =	simm.s32 $0x3800  }
0x6: {  	s13 =	simm.s32 $0x4000;
	s14 =	simm.s32 $0x4400;
	s15 =	simm.s32 $0x4C00  }
0x7: {  	s16 =	simm.s32 $0x5400;
	s17 =	simm.s32 $0x5800;
	s18 =	simm.s32 $0x6000  }
0x8: {  	s19 =	simm.s32 $0x6800;
	s20 =	simm.s32 $0x6C00;
	s21 =	simm.s32 $0x7400  }
0x9: {  	s28 =	simm.s32 $0x9C00;
	s29 =	simm.s32 $0xA400;
	s0 =	sand.u32 $0x1, s0  }
0xa: {  	s30 =	simm.s32 $0x1;
	s1 =	sshll.u32 s1, $0xC;
	s2 =	sshll.u32 s0, $0xB  }
0xb: {  	s31 =	simm.s32 $0x0;
	s1 =	sor.u32 s2, s1;
	s2 =	simm.s32 $0x0  }
0xc: {  	s3 =	sadd.s32 $0x36400, s6;
	s0 =	ssub.s32 $0x2, s0;
	[smem:$0x7FF] =	sst s2  }
0xd: {  	s5 =	sshrl.u32 s0, $0x1;
	_ =	strace $0x80000047;
	[dreg:$0x3] =	wrdreg s23  }
0xe: {  	s1 =	sshrl.u32 s1, $0x3;
	s0 =	ssub.s32 s0, s5;
	[dreg:$0x4] =	wrdreg s24  }
0xf: {  	s5 =	sadd.s32 $0x36500, s6;
	s4 =	smul.u32 $0x280, s1;
	[dreg:$0x5] =	wrdreg s25  }
0x10: {  	s1 =	sadd.s32 s1, s6;
	s0 =	smax.u32 s0, $0x1;
	[dreg:$0x6] =	wrdreg s26  }
0x11: {  	s23 =	simm.s32 $0x8000;
	s24 =	simm.s32 $0x8800;
	s25 =	simm.s32 $0x9000  }
0x12: {  	v2 =	vlaneseq.u32;
	s1 =	sadd.s32 $0x14400, s1;
	[dreg:$0x8] =	wrdreg s0;
	s4 =	sadd.s32 s4, s6  }
0x13: {  	vm0 =	vmmov $0xffff;
	vm1 =	vmmov $0xff;
	v1 =	vshrl.u32 v2, $0x3;
	s26 =	simm.s32 $0x9400;
	[dreg:$0x7] =	wrdreg s1;
	s22 =	sadd.s32 $0x4A400, s4  }
0x14: {  	v0 =	vand.u32 $0x7, v2;
	v2 =	vor.u32 $0x8, v2;
	v1 =	vmul.u32 $0x8, v1;
	s6 =	sadd.s32 $0x36600, s6;
	[dreg:$0x2] =	wrdreg s22;
	s22 =	simm.s32 $0x7C00  }
.LBB2_1:
0x15: {  	s0 =	rddreg [dreg:$0x7]  }
0x16: {  	[tilespmem:s2], [sflag:$0x2] =	stream.linear.gather [hbm4b:s0+s2], $0x800, $0x38;
	[tilespmem:$0xA800] =	vst v63  }
0x17: {  	_ =	swait.ge [sflag:s8], $0x800  }
0x18: {  	[sflag:s8] =	ssyncset.done $0x0  }
0x19: {  	s1 =	simm.s32 $0x20;
	s0 =	simm.s32 $0x0;
	[sflag:s8] =	ssyncadd.s32 $0xFFFFF800  }
.LBB2_2:
0x1a: {  	v3 =	vld [tilespmem:s1+$0xFFFFFFE0];
	_ =	sdelay $0x4  }
0x1b: {  	v4 =	vshrl.u32 v3, $0x3  }
0x1c: {  	v4 =	vmul.u32 $0x28, v4  }
0x1d: {  	v3 =	vand.u32 $0x7, v3  }
0x1e: {  	v3 =	vor.u32 v3, v4  }
0x1f: {  	v4 =	vperm.xlane v3, v0;
	_ =	sdelay $0x1  }
0x20: {  	v4 =	vadd.s32 v1, v4;
	_ =	sdelay $0x3  }
0x21: {  	v3 =	vperm.xlane v3, v2  }
0x22: {  	[tilespmem:s9], [sflag:$0x1] =	stream.indirect_vreg.gather [hbm4b:s3+s2], $0x80, v4, vm0, $0xb8;
	[tilespmem:$0xA800] =	vst v63  }
0x23: {  	s4 =	rddreg [dreg:$0x3];
	v3 =	vadd.s32 v1, v3  }
0x24: {  	[tilespmem:s4], [sflag:$0x1] =	stream.indirect_vreg.gather [hbm4b:s5+s2], $0x80, v4, vm0, $0xb8;
	[tilespmem:$0xA800] =	vst v63  }
0x25: {  	s7 =	rddreg [dreg:$0x4]  }
0x26: {  	[tilespmem:s7], [sflag:$0x1] =	stream.indirect_vreg.gather [hbm4b:s6+s2], $0x80, v4, vm1, $0xb8;
	[tilespmem:$0xA800] =	vst v63  }
0x27: {  	s4 =	rddreg [dreg:$0x5]  }
0x28: {  	[tilespmem:s4], [sflag:$0x1] =	stream.indirect_vreg.gather [hbm4b:s3+s2], $0x80, v3, vm0, $0xb8;
	[tilespmem:$0xA800] =	vst v63  }
0x29: {  	s7 =	rddreg [dreg:$0x6]  }
0x2a: {  	[tilespmem:s7], [sflag:$0x1] =	stream.indirect_vreg.gather [hbm4b:s5+s2], $0x80, v3, vm0, $0xb8;
	[tilespmem:$0xA800] =	vst v63  }
0x2b: {  	_ = 	snop  }
0x2c: {  	[tilespmem:s10], [sflag:$0x1] =	stream.indirect_vreg.gather [hbm4b:s6+s2], $0x80, v3, vm1, $0xb8;
	[tilespmem:$0xA800] =	vst v63  }
0x2d: {  	v3 =	vld [tilespmem:s1+$0xFFFFFFF0];
	_ =	sdelay $0x4  }
0x2e: {  	v61 =	vshrl.u32 v3, $0x3  }
0x2f: {  	v4 =	vmul.u32 $0x28, v61  }
0x30: {  	v3 =	vand.u32 $0x7, v3  }
0x31: {  	v3 =	vor.u32 v3, v4  }
0x32: {  	v4 =	vperm.xlane v3, v0;
	_ =	sdelay $0x1  }
0x33: {  	v4 =	vadd.s32 v1, v4;
	_ =	sdelay $0x3  }
0x34: {  	v3 =	vperm.xlane v3, v2  }
0x35: {  	[tilespmem:s11], [sflag:$0x1] =	stream.indirect_vreg.gather [hbm4b:s3+s2], $0x80, v4, vm0, $0xb8;
	[tilespmem:$0xA800] =	vst v63  }
0x36: {  	v3 =	vadd.s32 v1, v3  }
0x37: {  	[tilespmem:s12], [sflag:$0x1] =	stream.indirect_vreg.gather [hbm4b:s5+s2], $0x80, v4, vm0, $0xb8;
	[tilespmem:$0xA800] =	vst v63  }
0x38: {  	_ = 	snop  }
0x39: {  	[tilespmem:s13], [sflag:$0x1] =	stream.indirect_vreg.gather [hbm4b:s6+s2], $0x80, v4, vm1, $0xb8;
	[tilespmem:$0xA800] =	vst v63  }
0x3a: {  	_ = 	snop  }
0x3b: {  	[tilespmem:s14], [sflag:$0x1] =	stream.indirect_vreg.gather [hbm4b:s3+s2], $0x80, v3, vm0, $0xb8;
	[tilespmem:$0xA800] =	vst v63  }
0x3c: {  	_ = 	snop  }
0x3d: {  	[tilespmem:s15], [sflag:$0x1] =	stream.indirect_vreg.gather [hbm4b:s5+s2], $0x80, v3, vm0, $0xb8;
	[tilespmem:$0xA800] =	vst v63  }
0x3e: {  	_ = 	snop  }
0x3f: {  	[tilespmem:s16], [sflag:$0x1] =	stream.indirect_vreg.gather [hbm4b:s6+s2], $0x80, v3, vm1, $0xb8;
	[tilespmem:$0xA800] =	vst v63  }
0x40: {  	v3 =	vld [tilespmem:s1+$0x0];
	_ =	sdelay $0x4  }
0x41: {  	v62 =	vshrl.u32 v3, $0x3  }
0x42: {  	v4 =	vmul.u32 $0x28, v62  }
0x43: {  	v3 =	vand.u32 $0x7, v3  }
0x44: {  	v3 =	vor.u32 v3, v4  }
0x45: {  	v4 =	vperm.xlane v3, v0;
	_ =	sdelay $0x1  }
0x46: {  	v4 =	vadd.s32 v1, v4;
	_ =	sdelay $0x3  }
0x47: {  	v3 =	vperm.xlane v3, v2  }
0x48: {  	[tilespmem:s17], [sflag:$0x1] =	stream.indirect_vreg.gather [hbm4b:s3+s2], $0x80, v4, vm0, $0xb8;
	[tilespmem:$0xA800] =	vst v63  }
0x49: {  	v3 =	vadd.s32 v1, v3  }
0x4a: {  	[tilespmem:s18], [sflag:$0x1] =	stream.indirect_vreg.gather [hbm4b:s5+s2], $0x80, v4, vm0, $0xb8;
	[tilespmem:$0xA800] =	vst v63  }
0x4b: {  	_ = 	snop  }
0x4c: {  	[tilespmem:s19], [sflag:$0x1] =	stream.indirect_vreg.gather [hbm4b:s6+s2], $0x80, v4, vm1, $0xb8;
	[tilespmem:$0xA800] =	vst v63  }
0x4d: {  	_ = 	snop  }
0x4e: {  	[tilespmem:s20], [sflag:$0x1] =	stream.indirect_vreg.gather [hbm4b:s3+s2], $0x80, v3, vm0, $0xb8;
	[tilespmem:$0xA800] =	vst v63  }
0x4f: {  	_ = 	snop  }
0x50: {  	[tilespmem:s21], [sflag:$0x1] =	stream.indirect_vreg.gather [hbm4b:s5+s2], $0x80, v3, vm0, $0xb8;
	[tilespmem:$0xA800] =	vst v63  }
0x51: {  	_ = 	snop  }
0x52: {  	[tilespmem:s22], [sflag:$0x1] =	stream.indirect_vreg.gather [hbm4b:s6+s2], $0x80, v3, vm1, $0xb8;
	[tilespmem:$0xA800] =	vst v63  }
0x53: {  	v3 =	vld [tilespmem:s1+$0x10];
	_ =	sdelay $0x4  }
0x54: {  	v63 =	vshrl.u32 v3, $0x3  }
0x55: {  	v4 =	vmul.u32 $0x28, v63  }
0x56: {  	v3 =	vand.u32 $0x7, v3  }
0x57: {  	v3 =	vor.u32 v3, v4  }
0x58: {  	v4 =	vperm.xlane v3, v0;
	_ =	sdelay $0x1  }
0x59: {  	v4 =	vadd.s32 v1, v4;
	_ =	sdelay $0x3  }
0x5a: {  	v3 =	vperm.xlane v3, v2  }
0x5b: {  	[tilespmem:s23], [sflag:$0x1] =	stream.indirect_vreg.gather [hbm4b:s3+s2], $0x80, v4, vm0, $0xb8;
	[tilespmem:$0xA800] =	vst v63  }
0x5c: {  	v3 =	vadd.s32 v1, v3  }
0x5d: {  	[tilespmem:s24], [sflag:$0x1] =	stream.indirect_vreg.gather [hbm4b:s5+s2], $0x80, v4, vm0, $0xb8;
	[tilespmem:$0xA800] =	vst v63  }
0x5e: {  	_ = 	snop  }
0x5f: {  	[tilespmem:s25], [sflag:$0x1] =	stream.indirect_vreg.gather [hbm4b:s6+s2], $0x80, v4, vm1, $0xb8;
	[tilespmem:$0xA800] =	vst v63  }
0x60: {  	_ = 	snop  }
0x61: {  	[tilespmem:s26], [sflag:$0x1] =	stream.indirect_vreg.gather [hbm4b:s3+s2], $0x80, v3, vm0, $0xb8;
	[tilespmem:$0xA800] =	vst v63  }
0x62: {  	_ = 	snop  }
0x63: {  	[tilespmem:s28], [sflag:$0x1] =	stream.indirect_vreg.gather [hbm4b:s5+s2], $0x80, v3, vm0, $0xb8;
	[tilespmem:$0xA800] =	vst v63  }
0x64: {  	_ = 	snop  }
0x65: {  	[tilespmem:s29], [sflag:$0x1] =	stream.indirect_vreg.gather [hbm4b:s6+s2], $0x80, v3, vm1, $0xb8;
	[tilespmem:$0xA800] =	vst v63  }
0x66: {  	_ =	swait.ge [sflag:s30], $0xA000  }
0x67: {  	p0 =	sne.s32 s0, $0x26C00;
	s7 =	rddreg [dreg:$0x2];
	[sflag:s30] =	ssyncset.done $0x0  }
.Ltmp0:
0x68: {  	[sflag:s30] =	ssyncadd.s32 $0xFFFF6000;
	s4 =	sadd.s32 s0, s7;
	(pc) =	sbr.rel @p0 .LBB2_2-.Ltmp0, $4  }
0x69: {  	[hbm4b:s4+s2] =	stream.linear.scatter [tilespmem:s9], [sflag:$0x2], $0xA000, $0x38;
	[tilespmem:$0xA800] =	vst v63  }
0x6a: {  	_ =	swait.ge [sflag:s8], $0xA000  }
0x6b: {  	[sflag:s8] =	ssyncset.done $0x0  }
0x6c: {  	s1 =	sadd.s32 $0x40, s1;
	s0 =	sadd.s32 $0x1400, s0;
	[sflag:s8] =	ssyncadd.s32 $0xFFFF6000  }
0x6d: {  	s31 =	sadd.s32 $0x1, s31;
	s0 =	rddreg [dreg:$0x8]  }
0x6e: {  	p0 =	sne.s32 s31, s0  }
.Ltmp1:
0x6f: {  	_ = 	snop;
	(pc) =	sbr.rel @p0 .LBB2_1-.Ltmp1, $1  }
0x70: {  	_ =	sdelay $0x3  }
0x71: {  	_ =	sfence.sel $0x180000  }
0x72: {  	[bflag:$0x0] =	sbarrier.arrive $0xFFFF  }
0x73: {  	_ =	strace $0x90000047  }
0x74: {  	s0 =	stileid.u32;
	[bflag:$0x2] =	sbarrier.arrive $0xFFFF  }
0x75: {  	p0 =	sne.s32 s0, $0x0;
	s0 =	rddreg [dreg:$0x1]  }
0x76: {  	s0 =	sadd.s32 @!p0 $0x100000, s0  }
0x77: {  	[sflag:s0] =	ssyncadd.tile.s32 @!p0 $0x1;
	_ =	shalt  }
.Lfunc_end2:
_tile_overlayer_lowered:
.L_overlay_start_2:
0x78: {  	(tag) =	ssettag $0x2  }
0x79: {  	s0 =	rddreg [dreg:$0x0];
	s2 =	stileid.u32  }
0x7a: {  	s1 =	rddreg [dreg:$0x1];
	p0 =	sne.s32 s2, $0x0  }
0x7b: {  	s3 =	rddreg [dreg:$0x2];
	[bflag:$0x3] =	sbarrier.arrive $0xFFFF;
	s2 =	simm.s32 @!p0 $0x1C02  }
0x7c: {  	[timem:s3], [sflag:s2] =	dma.local @!p0 [hbm:s0], s1  }
0x7d: {  	s0 =	simm.s32 @!p0 $0x2  }
0x7e: {  	_ =	swait.ge @!p0 [sflag:s0], s1  }
0x7f: {  	s1 =	ssub.s32 @!p0 $0x0, s1;
	[sflag:s0] =	ssyncset.done @!p0 $0x0  }
0x80: {  	[sflag:s0] =	ssyncadd.s32 @!p0 s1  }
0x81: {  	[bflag:$0x3] =	sbarrier.arrive $0xFFFF  }
0x82: {  	_ =	shalt  }

</sc_bundles>
